<compile_context>
chip_gen: v7x
topology: tpu7x:2x2x1
jax: 0.10.2.dev20260603
libtpu: 0.0.44.dev20260713+nightly
codegen_flags: <defaults>
</compile_context>

<pallas_src>
import functools

import jax
import jax.numpy as jnp
from jax import lax
from jax.experimental import pallas as pl
from jax.experimental.pallas import tpu as pltpu
from jax.experimental.pallas import tpu_sc as plsc

_LANES = 16


@functools.lru_cache(maxsize=None)
def _build_sc_kernel(B, L, D, NC, NS):
    TD = D // 8
    NW = NC * NS
    slabs = L * TD
    per_w = slabs // NW
    cchunks = B // _LANES
    mesh = plsc.VectorSubcoreMesh(core_axis_name="c", subcore_axis_name="s")

    @functools.partial(
        pl.kernel,
        mesh=mesh,
        out_type=jax.ShapeDtypeStruct((L * D, B), jnp.float32),
        scratch_types=[
            pltpu.VMEM((8, B), jnp.float32),
            pltpu.VMEM((8, B), jnp.float32),
            pltpu.VMEM((8, B), jnp.float32),
            pltpu.VMEM((128,), jnp.float32),
            pltpu.VMEM((128,), jnp.float32),
            pltpu.VMEM((128,), jnp.float32),
            pltpu.SemaphoreType.DMA,
            pltpu.SemaphoreType.DMA,
            pltpu.SemaphoreType.DMA,
            pltpu.SemaphoreType.DMA,
            pltpu.SemaphoreType.DMA,
            pltpu.SemaphoreType.DMA,
        ],
    )
    def sc_add(x_hbm, pos_hbm, out_hbm, buf0, buf1, buf2, psl0, psl1, psl2,
               si0, si1, si2, so0, so1, so2):
        wid = lax.axis_index("s") * NC + lax.axis_index("c")
        base = wid * per_w

        def start_in(i, buf, psl, sem):
            s = base + i
            l = s // TD
            td = s - l * TD
            rs = (L - 1 - l) * TD + td
            pltpu.make_async_copy(pos_hbm.at[rs], psl, sem).start()
            pltpu.make_async_copy(x_hbm.at[pl.ds(s * 8, 8)], buf, sem).start()

        def wait_in(buf, psl, sem):
            pltpu.make_async_copy(pos_hbm.at[0], psl, sem).wait()
            pltpu.make_async_copy(x_hbm.at[pl.ds(0, 8)], buf, sem).wait()

        def start_out(i, buf, sem):
            s = base + i
            pltpu.make_async_copy(buf, out_hbm.at[pl.ds(s * 8, 8)], sem).start()

        def wait_out(buf, sem):
            pltpu.make_async_copy(buf, out_hbm.at[pl.ds(0, 8)], sem).wait()

        def add_slab(buf, psl):
            pvs = [psl[pl.ds(ds * _LANES, _LANES)] for ds in range(8)]

            @plsc.parallel_loop(0, cchunks, 1, unroll=2)
            def body(c):
                off = c * _LANES
                for ds in range(8):
                    buf[ds, pl.ds(off, _LANES)] = (
                        buf[ds, pl.ds(off, _LANES)] + pvs[ds]
                    )

        bufs = (buf0, buf1, buf2)
        psls = (psl0, psl1, psl2)
        sis = (si0, si1, si2)
        sos = (so0, so1, so2)

        start_in(0, buf0, psl0, si0)
        start_in(1, buf1, psl1, si1)
        start_in(2, buf2, psl2, si2)

        def visit(c, k):
            wait_in(bufs[k], psls[k], sis[k])
            add_slab(bufs[k], psls[k])
            start_out(c, bufs[k], sos[k])
            kn = (k + 2) % 3

            @pl.when((c >= 1) & (c + 2 < per_w))
            def _():
                wait_out(bufs[kn], sos[kn])
                start_in(c + 2, bufs[kn], psls[kn], sis[kn])

        def triple(g, carry):
            c0 = 3 * g
            visit(c0, 0)
            visit(c0 + 1, 1)
            visit(c0 + 2, 2)
            return carry

        ntriple = per_w // 3
        lax.fori_loop(0, ntriple, triple, 0)
        for c in range(3 * ntriple, per_w):
            visit(jnp.int32(c), c % 3)
        for c in range(per_w - 3, per_w):
            wait_out(bufs[c % 3], sos[c % 3])

    return sc_add


def kernel(sessions, pos_emb):
    B, L, D = sessions.shape
    info = plsc.get_sparse_core_info()
    NC, NS = info.num_cores, info.num_subcores
    x_t = sessions.transpose(1, 2, 0).reshape(L * D, B)
    p = jnp.broadcast_to(
        pos_emb.reshape(L, D // 8, 8)[:, :, :, None], (L, D // 8, 8, _LANES)
    ).reshape(L * (D // 8), 8 * _LANES)
    out_t = _build_sc_kernel(B, L, D, NC, NS)(x_t, p)
    return out_t.reshape(L, D, B).transpose(2, 0, 1)

# --- scband reference (transcript-rebuilt; emitter-appended) ---
"""Pipeline reference for scband-learnable-inverse-positional-encoding-11312943857852 (READ-ONLY COPY).

The authoritative reference and input builder live on the scoring server;
editing this copy changes nothing except your own understanding.
"""

import jax, jax.numpy as jnp
import numpy as np

SESSION_MAX_LEN = 200
N_FACTORS = 64
BATCH = 4096
USE_SCALE_FACTOR = False


def setup_inputs(seed: int = 0) -> dict:
    key = jax.random.key(seed)
    k1, k2 = jax.random.split(key)
    sessions = jax.random.normal(k1, (BATCH, SESSION_MAX_LEN, N_FACTORS), dtype=jnp.float32)
    # learned positional embedding table, same init scale as nn.Embedding (N(0,1))
    pos_emb = jax.random.normal(k2, (SESSION_MAX_LEN, N_FACTORS), dtype=jnp.float32)
    return {"sessions": sessions, "pos_emb": pos_emb}


def reference(sessions, pos_emb):
    bsz, session_max_len, n_factors = sessions.shape
    if USE_SCALE_FACTOR:
        sessions = sessions * (n_factors ** 0.5)
    # positions = [session_max_len-1, ..., 1, 0]  (inverse ordering)
    positions = jnp.arange(session_max_len - 1, -1, -1)
    pos = jnp.take(pos_emb, positions, axis=0)  # gather -> [L, D]
    out = sessions + pos[None, :, :]
    return out

if __name__ == "__main__":
    import jax
    _d = setup_inputs()
    print(jax.jit(kernel)(*tuple(_d.values())))

</pallas_src>

<mosaic_0001>
#map = affine_map<(d0, d1) -> (0, 0)>
module attributes {stable_mosaic.version = 14 : i64} {
  func.func @sc_add(%arg0: i32, %arg1: i32, %arg2: memref<12800x4096xf32, #tpu.memory_space<hbm>>, %arg3: memref<1600x128xf32, #tpu.memory_space<hbm>>, %arg4: memref<12800x4096xf32, #tpu.memory_space<hbm>>, %arg5: memref<8x4096xf32, #tpu.memory_space<vmem>>, %arg6: memref<8x4096xf32, #tpu.memory_space<vmem>>, %arg7: memref<8x4096xf32, #tpu.memory_space<vmem>>, %arg8: memref<128xf32, #tpu.memory_space<vmem>>, %arg9: memref<128xf32, #tpu.memory_space<vmem>>, %arg10: memref<128xf32, #tpu.memory_space<vmem>>, %arg11: memref<!tpu.dma_semaphore, #tpu.memory_space<semaphore_mem>>, %arg12: memref<!tpu.dma_semaphore, #tpu.memory_space<semaphore_mem>>, %arg13: memref<!tpu.dma_semaphore, #tpu.memory_space<semaphore_mem>>, %arg14: memref<!tpu.dma_semaphore, #tpu.memory_space<semaphore_mem>>, %arg15: memref<!tpu.dma_semaphore, #tpu.memory_space<semaphore_mem>>, %arg16: memref<!tpu.dma_semaphore, #tpu.memory_space<semaphore_mem>>) attributes {dimension_semantics = [#tpu.dimension_semantics<core_parallel>, #tpu.dimension_semantics<subcore_parallel>], iteration_bounds = array<i64: 2, 16>, scalar_prefetch = 0 : i64, scratch_operands = 12 : i64, tpu.core_type = #tpu.core_type<sc_vector_subcore>, window_params = [{transform_indices = #map}, {transform_indices = #map}, {transform_indices = #map}]} {
    %mul3A = arith.constant 2 : i32
    %mul3A_0 = arith.muli %arg1, %mul3A : i32
    %add3A = arith.addi %mul3A_0, %arg0 : i32
    %mul3A_1 = arith.constant 50 : i32
    %mul3A_2 = arith.muli %add3A, %mul3A_1 : i32
    %add3A_3 = arith.constant 0 : i32
    %add3A_4 = arith.addi %mul3A_2, %add3A_3 : i32
    %jit3A = arith.constant 8 : i32
    %div3A = arith.divsi %add3A_4, %jit3A : i32
    %sign3A = arith.constant 0 : i32
    %sign3A_5 = arith.cmpi sgt, %add3A_4, %sign3A : i32
    %sign3A_6 = arith.extui %sign3A_5 : i1 to i32
    %sign3A_7 = arith.constant 0 : i32
    %sign3A_8 = arith.cmpi slt, %add3A_4, %sign3A_7 : i32
    %sign3A_9 = arith.extui %sign3A_8 : i1 to i32
    %sign3A_10 = arith.subi %sign3A_6, %sign3A_9 : i32
    %sign3A_11 = arith.constant 0 : i32
    %sign3A_12 = arith.cmpi sgt, %jit3A, %sign3A_11 : i32
    %sign3A_13 = arith.extui %sign3A_12 : i1 to i32
    %sign3A_14 = arith.constant 0 : i32
    %sign3A_15 = arith.cmpi slt, %jit3A, %sign3A_14 : i32
    %sign3A_16 = arith.extui %sign3A_15 : i1 to i32
    %sign3A_17 = arith.subi %sign3A_13, %sign3A_16 : i32
    %ne3A = arith.cmpi ne, %sign3A_10, %sign3A_17 : i32
    %rem3A = arith.remsi %add3A_4, %jit3A : i32
    %ne3A_18 = arith.constant 0 : i32
    %ne3A_19 = arith.cmpi ne, %rem3A, %ne3A_18 : i32
    %and3A = arith.andi %ne3A, %ne3A_19 : i1
    %sub3A = arith.constant 1 : i32
    %sub3A_20 = arith.subi %div3A, %sub3A : i32
    %select_n3A = arith.select %and3A, %sub3A_20, %div3A : i32
    %mul3A_21 = arith.constant 8 : i32
    %mul3A_22 = arith.muli %select_n3A, %mul3A_21 : i32
    %sub3A_23 = arith.subi %add3A_4, %mul3A_22 : i32
    %sub3A_24 = arith.constant 199 : i32
    %sub3A_25 = arith.subi %sub3A_24, %select_n3A : i32
    %mul3A_26 = arith.constant 8 : i32
    %mul3A_27 = arith.muli %sub3A_25, %mul3A_26 : i32
    %add3A_28 = arith.addi %mul3A_27, %sub3A_23 : i32
    %dma_start3A = arith.constant 0 : i32
    %dma_start3A_29 = tpu.memref_slice %arg3[%add3A_28, %dma_start3A] : memref<1600x128xf32, #tpu.memory_space<hbm>> -> memref<1x128xf32, #tpu.memory_space<hbm>>
    %dma_start3A_30 = tpu.memref_squeeze %dma_start3A_29 : memref<1x128xf32, #tpu.memory_space<hbm>> -> memref<128xf32, #tpu.memory_space<hbm>>
    %dma_start3A_31 = arith.constant 0 : i32
    %dma_start3A_32 = tpu.memref_slice %arg3[%add3A_28, %dma_start3A_31] : memref<1600x128xf32, #tpu.memory_space<hbm>> -> memref<1x128xf32, #tpu.memory_space<hbm>>
    %dma_start3A_33 = tpu.memref_squeeze %dma_start3A_32 : memref<1x128xf32, #tpu.memory_space<hbm>> -> memref<128xf32, #tpu.memory_space<hbm>>
    tpu.enqueue_dma source(%dma_start3A_33 : memref<128xf32, #tpu.memory_space<hbm>>) target(%arg8 : memref<128xf32, #tpu.memory_space<vmem>>) target_semaphore(%arg11 : memref<!tpu.dma_semaphore, #tpu.memory_space<semaphore_mem>>)
    %mul3A_34 = arith.constant 8 : i32
    %mul3A_35 = arith.muli %add3A_4, %mul3A_34 : i32
    %dma_start3A_36 = arith.constant 0 : i32
    %dma_start3A_37 = tpu.memref_slice %arg2[%mul3A_35, %dma_start3A_36] : memref<12800x4096xf32, #tpu.memory_space<hbm>> -> memref<8x4096xf32, #tpu.memory_space<hbm>>
    %dma_start3A_38 = arith.constant 0 : i32
    %dma_start3A_39 = tpu.memref_slice %arg2[%mul3A_35, %dma_start3A_38] : memref<12800x4096xf32, #tpu.memory_space<hbm>> -> memref<8x4096xf32, #tpu.memory_space<hbm>>
    tpu.enqueue_dma source(%dma_start3A_39 : memref<8x4096xf32, #tpu.memory_space<hbm>>) target(%arg5 : memref<8x4096xf32, #tpu.memory_space<vmem>>) target_semaphore(%arg11 : memref<!tpu.dma_semaphore, #tpu.memory_space<semaphore_mem>>)
    %add3A_40 = arith.constant 1 : i32
    %add3A_41 = arith.addi %mul3A_2, %add3A_40 : i32
    %jit3A_42 = arith.constant 8 : i32
    %div3A_43 = arith.divsi %add3A_41, %jit3A_42 : i32
    %sign3A_44 = arith.constant 0 : i32
    %sign3A_45 = arith.cmpi sgt, %add3A_41, %sign3A_44 : i32
    %sign3A_46 = arith.extui %sign3A_45 : i1 to i32
    %sign3A_47 = arith.constant 0 : i32
    %sign3A_48 = arith.cmpi slt, %add3A_41, %sign3A_47 : i32
    %sign3A_49 = arith.extui %sign3A_48 : i1 to i32
    %sign3A_50 = arith.subi %sign3A_46, %sign3A_49 : i32
    %sign3A_51 = arith.constant 0 : i32
    %sign3A_52 = arith.cmpi sgt, %jit3A_42, %sign3A_51 : i32
    %sign3A_53 = arith.extui %sign3A_52 : i1 to i32
    %sign3A_54 = arith.constant 0 : i32
    %sign3A_55 = arith.cmpi slt, %jit3A_42, %sign3A_54 : i32
    %sign3A_56 = arith.extui %sign3A_55 : i1 to i32
    %sign3A_57 = arith.subi %sign3A_53, %sign3A_56 : i32
    %ne3A_58 = arith.cmpi ne, %sign3A_50, %sign3A_57 : i32
    %rem3A_59 = arith.remsi %add3A_41, %jit3A_42 : i32
    %ne3A_60 = arith.constant 0 : i32
    %ne3A_61 = arith.cmpi ne, %rem3A_59, %ne3A_60 : i32
    %and3A_62 = arith.andi %ne3A_58, %ne3A_61 : i1
    %sub3A_63 = arith.constant 1 : i32
    %sub3A_64 = arith.subi %div3A_43, %sub3A_63 : i32
    %select_n3A_65 = arith.select %and3A_62, %sub3A_64, %div3A_43 : i32
    %mul3A_66 = arith.constant 8 : i32
    %mul3A_67 = arith.muli %select_n3A_65, %mul3A_66 : i32
    %sub3A_68 = arith.subi %add3A_41, %mul3A_67 : i32
    %sub3A_69 = arith.constant 199 : i32
    %sub3A_70 = arith.subi %sub3A_69, %select_n3A_65 : i32
    %mul3A_71 = arith.constant 8 : i32
    %mul3A_72 = arith.muli %sub3A_70, %mul3A_71 : i32
    %add3A_73 = arith.addi %mul3A_72, %sub3A_68 : i32
    %dma_start3A_74 = arith.constant 0 : i32
    %dma_start3A_75 = tpu.memref_slice %arg3[%add3A_73, %dma_start3A_74] : memref<1600x128xf32, #tpu.memory_space<hbm>> -> memref<1x128xf32, #tpu.memory_space<hbm>>
    %dma_start3A_76 = tpu.memref_squeeze %dma_start3A_75 : memref<1x128xf32, #tpu.memory_space<hbm>> -> memref<128xf32, #tpu.memory_space<hbm>>
    %dma_start3A_77 = arith.constant 0 : i32
    %dma_start3A_78 = tpu.memref_slice %arg3[%add3A_73, %dma_start3A_77] : memref<1600x128xf32, #tpu.memory_space<hbm>> -> memref<1x128xf32, #tpu.memory_space<hbm>>
    %dma_start3A_79 = tpu.memref_squeeze %dma_start3A_78 : memref<1x128xf32, #tpu.memory_space<hbm>> -> memref<128xf32, #tpu.memory_space<hbm>>
    tpu.enqueue_dma source(%dma_start3A_79 : memref<128xf32, #tpu.memory_space<hbm>>) target(%arg9 : memref<128xf32, #tpu.memory_space<vmem>>) target_semaphore(%arg12 : memref<!tpu.dma_semaphore, #tpu.memory_space<semaphore_mem>>)
    %mul3A_80 = arith.constant 8 : i32
    %mul3A_81 = arith.muli %add3A_41, %mul3A_80 : i32
    %dma_start3A_82 = arith.constant 0 : i32
    %dma_start3A_83 = tpu.memref_slice %arg2[%mul3A_81, %dma_start3A_82] : memref<12800x4096xf32, #tpu.memory_space<hbm>> -> memref<8x4096xf32, #tpu.memory_space<hbm>>
    %dma_start3A_84 = arith.constant 0 : i32
    %dma_start3A_85 = tpu.memref_slice %arg2[%mul3A_81, %dma_start3A_84] : memref<12800x4096xf32, #tpu.memory_space<hbm>> -> memref<8x4096xf32, #tpu.memory_space<hbm>>
    tpu.enqueue_dma source(%dma_start3A_85 : memref<8x4096xf32, #tpu.memory_space<hbm>>) target(%arg6 : memref<8x4096xf32, #tpu.memory_space<vmem>>) target_semaphore(%arg12 : memref<!tpu.dma_semaphore, #tpu.memory_space<semaphore_mem>>)
    %add3A_86 = arith.constant 2 : i32
    %add3A_87 = arith.addi %mul3A_2, %add3A_86 : i32
    %jit3A_88 = arith.constant 8 : i32
    %div3A_89 = arith.divsi %add3A_87, %jit3A_88 : i32
    %sign3A_90 = arith.constant 0 : i32
    %sign3A_91 = arith.cmpi sgt, %add3A_87, %sign3A_90 : i32
    %sign3A_92 = arith.extui %sign3A_91 : i1 to i32
    %sign3A_93 = arith.constant 0 : i32
    %sign3A_94 = arith.cmpi slt, %add3A_87, %sign3A_93 : i32
    %sign3A_95 = arith.extui %sign3A_94 : i1 to i32
    %sign3A_96 = arith.subi %sign3A_92, %sign3A_95 : i32
    %sign3A_97 = arith.constant 0 : i32
    %sign3A_98 = arith.cmpi sgt, %jit3A_88, %sign3A_97 : i32
    %sign3A_99 = arith.extui %sign3A_98 : i1 to i32
    %sign3A_100 = arith.constant 0 : i32
    %sign3A_101 = arith.cmpi slt, %jit3A_88, %sign3A_100 : i32
    %sign3A_102 = arith.extui %sign3A_101 : i1 to i32
    %sign3A_103 = arith.subi %sign3A_99, %sign3A_102 : i32
    %ne3A_104 = arith.cmpi ne, %sign3A_96, %sign3A_103 : i32
    %rem3A_105 = arith.remsi %add3A_87, %jit3A_88 : i32
    %ne3A_106 = arith.constant 0 : i32
    %ne3A_107 = arith.cmpi ne, %rem3A_105, %ne3A_106 : i32
    %and3A_108 = arith.andi %ne3A_104, %ne3A_107 : i1
    %sub3A_109 = arith.constant 1 : i32
    %sub3A_110 = arith.subi %div3A_89, %sub3A_109 : i32
    %select_n3A_111 = arith.select %and3A_108, %sub3A_110, %div3A_89 : i32
    %mul3A_112 = arith.constant 8 : i32
    %mul3A_113 = arith.muli %select_n3A_111, %mul3A_112 : i32
    %sub3A_114 = arith.subi %add3A_87, %mul3A_113 : i32
    %sub3A_115 = arith.constant 199 : i32
    %sub3A_116 = arith.subi %sub3A_115, %select_n3A_111 : i32
    %mul3A_117 = arith.constant 8 : i32
    %mul3A_118 = arith.muli %sub3A_116, %mul3A_117 : i32
    %add3A_119 = arith.addi %mul3A_118, %sub3A_114 : i32
    %dma_start3A_120 = arith.constant 0 : i32
    %dma_start3A_121 = tpu.memref_slice %arg3[%add3A_119, %dma_start3A_120] : memref<1600x128xf32, #tpu.memory_space<hbm>> -> memref<1x128xf32, #tpu.memory_space<hbm>>
    %dma_start3A_122 = tpu.memref_squeeze %dma_start3A_121 : memref<1x128xf32, #tpu.memory_space<hbm>> -> memref<128xf32, #tpu.memory_space<hbm>>
    %dma_start3A_123 = arith.constant 0 : i32
    %dma_start3A_124 = tpu.memref_slice %arg3[%add3A_119, %dma_start3A_123] : memref<1600x128xf32, #tpu.memory_space<hbm>> -> memref<1x128xf32, #tpu.memory_space<hbm>>
    %dma_start3A_125 = tpu.memref_squeeze %dma_start3A_124 : memref<1x128xf32, #tpu.memory_space<hbm>> -> memref<128xf32, #tpu.memory_space<hbm>>
    tpu.enqueue_dma source(%dma_start3A_125 : memref<128xf32, #tpu.memory_space<hbm>>) target(%arg10 : memref<128xf32, #tpu.memory_space<vmem>>) target_semaphore(%arg13 : memref<!tpu.dma_semaphore, #tpu.memory_space<semaphore_mem>>)
    %mul3A_126 = arith.constant 8 : i32
    %mul3A_127 = arith.muli %add3A_87, %mul3A_126 : i32
    %dma_start3A_128 = arith.constant 0 : i32
    %dma_start3A_129 = tpu.memref_slice %arg2[%mul3A_127, %dma_start3A_128] : memref<12800x4096xf32, #tpu.memory_space<hbm>> -> memref<8x4096xf32, #tpu.memory_space<hbm>>
    %dma_start3A_130 = arith.constant 0 : i32
    %dma_start3A_131 = tpu.memref_slice %arg2[%mul3A_127, %dma_start3A_130] : memref<12800x4096xf32, #tpu.memory_space<hbm>> -> memref<8x4096xf32, #tpu.memory_space<hbm>>
    tpu.enqueue_dma source(%dma_start3A_131 : memref<8x4096xf32, #tpu.memory_space<hbm>>) target(%arg7 : memref<8x4096xf32, #tpu.memory_space<vmem>>) target_semaphore(%arg13 : memref<!tpu.dma_semaphore, #tpu.memory_space<semaphore_mem>>)
    %scan3A = arith.constant 0 : i32
    %scan3A_132 = arith.constant 0 : i32
    %scan3A_133 = arith.constant 16 : i32
    %scan3A_134 = arith.addi %scan3A_132, %scan3A_133 : i32
    %scan3A_135 = arith.constant 1 : i32
    scf.for %scan3A_270 = %scan3A_132 to %scan3A_134 step %scan3A_135  : i32 {
      %mul3A_271 = arith.constant 3 : i32
      %mul3A_272 = arith.muli %mul3A_271, %scan3A_270 : i32
      %dma_wait3A_273 = arith.constant 0 : i32
      %dma_wait3A_274 = arith.constant 0 : i32
      %dma_wait3A_275 = tpu.memref_slice %arg3[%dma_wait3A_273, %dma_wait3A_274] : memref<1600x128xf32, #tpu.memory_space<hbm>> -> memref<1x128xf32, #tpu.memory_space<hbm>>
      %dma_wait3A_276 = tpu.memref_squeeze %dma_wait3A_275 : memref<1x128xf32, #tpu.memory_space<hbm>> -> memref<128xf32, #tpu.memory_space<hbm>>
      %dma_wait3A_277 = arith.constant 0 : i32
      %dma_wait3A_278 = tpu.memref_slice %arg3[%dma_wait3A_273, %dma_wait3A_277] : memref<1600x128xf32, #tpu.memory_space<hbm>> -> memref<1x128xf32, #tpu.memory_space<hbm>>
      %dma_wait3A_279 = tpu.memref_squeeze %dma_wait3A_278 : memref<1x128xf32, #tpu.memory_space<hbm>> -> memref<128xf32, #tpu.memory_space<hbm>>
      tpu.wait_dma2 semaphore(%arg11 : memref<!tpu.dma_semaphore, #tpu.memory_space<semaphore_mem>>) src(%dma_wait3A_279 : memref<128xf32, #tpu.memory_space<hbm>>) dst(%arg8 : memref<128xf32, #tpu.memory_space<vmem>>)
      %dma_wait3A_280 = arith.constant 0 : i32
      %dma_wait3A_281 = arith.constant 0 : i32
      %dma_wait3A_282 = tpu.memref_slice %arg2[%dma_wait3A_280, %dma_wait3A_281] : memref<12800x4096xf32, #tpu.memory_space<hbm>> -> memref<8x4096xf32, #tpu.memory_space<hbm>>
      %dma_wait3A_283 = arith.constant 0 : i32
      %dma_wait3A_284 = arith.constant 0 : i32
      %dma_wait3A_285 = tpu.memref_slice %arg2[%dma_wait3A_283, %dma_wait3A_284] : memref<12800x4096xf32, #tpu.memory_space<hbm>> -> memref<8x4096xf32, #tpu.memory_space<hbm>>
      tpu.wait_dma2 semaphore(%arg11 : memref<!tpu.dma_semaphore, #tpu.memory_space<semaphore_mem>>) src(%dma_wait3A_285 : memref<8x4096xf32, #tpu.memory_space<hbm>>) dst(%arg5 : memref<8x4096xf32, #tpu.memory_space<vmem>>)
      %get3A_286 = arith.constant 0 : index
      %get3A_287 = tpu.vector_load %arg8[%get3A_286] {strides = array<i32>} : memref<128xf32, #tpu.memory_space<vmem>>, vector<16xf32>,
      %get3A_288 = vector.shape_cast %get3A_287 : vector<16xf32> to vector<16xf32>
      %get3A_289 = arith.constant 16 : index
      %get3A_290 = tpu.vector_load %arg8[%get3A_289] {strides = array<i32>} : memref<128xf32, #tpu.memory_space<vmem>>, vector<16xf32>,
      %get3A_291 = vector.shape_cast %get3A_290 : vector<16xf32> to vector<16xf32>
      %get3A_292 = arith.constant 32 : index
      %get3A_293 = tpu.vector_load %arg8[%get3A_292] {strides = array<i32>} : memref<128xf32, #tpu.memory_space<vmem>>, vector<16xf32>,
      %get3A_294 = vector.shape_cast %get3A_293 : vector<16xf32> to vector<16xf32>
      %get3A_295 = arith.constant 48 : index
      %get3A_296 = tpu.vector_load %arg8[%get3A_295] {strides = array<i32>} : memref<128xf32, #tpu.memory_space<vmem>>, vector<16xf32>,
      %get3A_297 = vector.shape_cast %get3A_296 : vector<16xf32> to vector<16xf32>
      %get3A_298 = arith.constant 64 : index
      %get3A_299 = tpu.vector_load %arg8[%get3A_298] {strides = array<i32>} : memref<128xf32, #tpu.memory_space<vmem>>, vector<16xf32>,
      %get3A_300 = vector.shape_cast %get3A_299 : vector<16xf32> to vector<16xf32>
      %get3A_301 = arith.constant 80 : index
      %get3A_302 = tpu.vector_load %arg8[%get3A_301] {strides = array<i32>} : memref<128xf32, #tpu.memory_space<vmem>>, vector<16xf32>,
      %get3A_303 = vector.shape_cast %get3A_302 : vector<16xf32> to vector<16xf32>
      %get3A_304 = arith.constant 96 : index
      %get3A_305 = tpu.vector_load %arg8[%get3A_304] {strides = array<i32>} : memref<128xf32, #tpu.memory_space<vmem>>, vector<16xf32>,
      %get3A_306 = vector.shape_cast %get3A_305 : vector<16xf32> to vector<16xf32>
      %get3A_307 = arith.constant 112 : index
      %get3A_308 = tpu.vector_load %arg8[%get3A_307] {strides = array<i32>} : memref<128xf32, #tpu.memory_space<vmem>>, vector<16xf32>,
      %get3A_309 = vector.shape_cast %get3A_308 : vector<16xf32> to vector<16xf32>
      %parallel_loop3A_310 = arith.constant 0 : i32
      %parallel_loop3A_311 = arith.constant 256 : i32
      %parallel_loop3A_312 = arith.constant 1 : i32
      scf.for %parallel_loop3A_448 = %parallel_loop3A_310 to %parallel_loop3A_311 step %parallel_loop3A_312  : i32 {
        %parallel_loop3A_449 = arith.constant 16 : i32
        %parallel_loop3A_450 = arith.muli %parallel_loop3A_448, %parallel_loop3A_449 : i32
        %parallel_loop3A_451 = arith.constant 0 : i32
        %parallel_loop3A_452 = arith.index_cast %parallel_loop3A_451 : i32 to index
        %parallel_loop3A_453 = arith.index_cast %parallel_loop3A_450 : i32 to index
        %parallel_loop3A_454 = tpu.vector_load %arg5[%parallel_loop3A_452, %parallel_loop3A_453] {strides = array<i32>} : memref<8x4096xf32, #tpu.memory_space<vmem>>, vector<1x16xf32>,
        %parallel_loop3A_455 = vector.shape_cast %parallel_loop3A_454 : vector<1x16xf32> to vector<16xf32>
        %parallel_loop3A_456 = arith.addf %parallel_loop3A_455, %get3A_288 : vector<16xf32>
        %parallel_loop3A_457 = arith.constant 0 : i32
        %parallel_loop3A_458 = arith.index_cast %parallel_loop3A_457 : i32 to index
        %parallel_loop3A_459 = arith.index_cast %parallel_loop3A_450 : i32 to index
        %parallel_loop3A_460 = tpu.vector_load %arg5[%parallel_loop3A_458, %parallel_loop3A_459] {strides = array<i32>} : memref<8x4096xf32, #tpu.memory_space<vmem>>, vector<1x16xf32>,
        %parallel_loop3A_461 = vector.shape_cast %parallel_loop3A_460 : vector<1x16xf32> to vector<16xf32>
        %parallel_loop3A_462 = vector.shape_cast %parallel_loop3A_456 : vector<16xf32> to vector<1x16xf32>
        tpu.vector_store %arg5[%parallel_loop3A_458, %parallel_loop3A_459], %parallel_loop3A_462 {strides = array<i32>} : memref<8x4096xf32, #tpu.memory_space<vmem>>, vector<1x16xf32>,
        %parallel_loop3A_463 = arith.constant 1 : i32
        %parallel_loop3A_464 = arith.index_cast %parallel_loop3A_463 : i32 to index
        %parallel_loop3A_465 = arith.index_cast %parallel_loop3A_450 : i32 to index
        %parallel_loop3A_466 = tpu.vector_load %arg5[%parallel_loop3A_464, %parallel_loop3A_465] {strides = array<i32>} : memref<8x4096xf32, #tpu.memory_space<vmem>>, vector<1x16xf32>,
        %parallel_loop3A_467 = vector.shape_cast %parallel_loop3A_466 : vector<1x16xf32> to vector<16xf32>
        %parallel_loop3A_468 = arith.addf %parallel_loop3A_467, %get3A_291 : vector<16xf32>
        %parallel_loop3A_469 = arith.constant 1 : i32
        %parallel_loop3A_470 = arith.index_cast %parallel_loop3A_469 : i32 to index
        %parallel_loop3A_471 = arith.index_cast %parallel_loop3A_450 : i32 to index
        %parallel_loop3A_472 = tpu.vector_load %arg5[%parallel_loop3A_470, %parallel_loop3A_471] {strides = array<i32>} : memref<8x4096xf32, #tpu.memory_space<vmem>>, vector<1x16xf32>,
        %parallel_loop3A_473 = vector.shape_cast %parallel_loop3A_472 : vector<1x16xf32> to vector<16xf32>
        %parallel_loop3A_474 = vector.shape_cast %parallel_loop3A_468 : vector<16xf32> to vector<1x16xf32>
        tpu.vector_store %arg5[%parallel_loop3A_470, %parallel_loop3A_471], %parallel_loop3A_474 {strides = array<i32>} : memref<8x4096xf32, #tpu.memory_space<vmem>>, vector<1x16xf32>,
        %parallel_loop3A_475 = arith.constant 2 : i32
        %parallel_loop3A_476 = arith.index_cast %parallel_loop3A_475 : i32 to index
        %parallel_loop3A_477 = arith.index_cast %parallel_loop3A_450 : i32 to index
        %parallel_loop3A_478 = tpu.vector_load %arg5[%parallel_loop3A_476, %parallel_loop3A_477] {strides = array<i32>} : memref<8x4096xf32, #tpu.memory_space<vmem>>, vector<1x16xf32>,
        %parallel_loop3A_479 = vector.shape_cast %parallel_loop3A_478 : vector<1x16xf32> to vector<16xf32>
        %parallel_loop3A_480 = arith.addf %parallel_loop3A_479, %get3A_294 : vector<16xf32>
        %parallel_loop3A_481 = arith.constant 2 : i32
        %parallel_loop3A_482 = arith.index_cast %parallel_loop3A_481 : i32 to index
        %parallel_loop3A_483 = arith.index_cast %parallel_loop3A_450 : i32 to index
        %parallel_loop3A_484 = tpu.vector_load %arg5[%parallel_loop3A_482, %parallel_loop3A_483] {strides = array<i32>} : memref<8x4096xf32, #tpu.memory_space<vmem>>, vector<1x16xf32>,
        %parallel_loop3A_485 = vector.shape_cast %parallel_loop3A_484 : vector<1x16xf32> to vector<16xf32>
        %parallel_loop3A_486 = vector.shape_cast %parallel_loop3A_480 : vector<16xf32> to vector<1x16xf32>
        tpu.vector_store %arg5[%parallel_loop3A_482, %parallel_loop3A_483], %parallel_loop3A_486 {strides = array<i32>} : memref<8x4096xf32, #tpu.memory_space<vmem>>, vector<1x16xf32>,
        %parallel_loop3A_487 = arith.constant 3 : i32
        %parallel_loop3A_488 = arith.index_cast %parallel_loop3A_487 : i32 to index
        %parallel_loop3A_489 = arith.index_cast %parallel_loop3A_450 : i32 to index
        %parallel_loop3A_490 = tpu.vector_load %arg5[%parallel_loop3A_488, %parallel_loop3A_489] {strides = array<i32>} : memref<8x4096xf32, #tpu.memory_space<vmem>>, vector<1x16xf32>,
        %parallel_loop3A_491 = vector.shape_cast %parallel_loop3A_490 : vector<1x16xf32> to vector<16xf32>
        %parallel_loop3A_492 = arith.addf %parallel_loop3A_491, %get3A_297 : vector<16xf32>
        %parallel_loop3A_493 = arith.constant 3 : i32
        %parallel_loop3A_494 = arith.index_cast %parallel_loop3A_493 : i32 to index
        %parallel_loop3A_495 = arith.index_cast %parallel_loop3A_450 : i32 to index
        %parallel_loop3A_496 = tpu.vector_load %arg5[%parallel_loop3A_494, %parallel_loop3A_495] {strides = array<i32>} : memref<8x4096xf32, #tpu.memory_space<vmem>>, vector<1x16xf32>,
        %parallel_loop3A_497 = vector.shape_cast %parallel_loop3A_496 : vector<1x16xf32> to vector<16xf32>
        %parallel_loop3A_498 = vector.shape_cast %parallel_loop3A_492 : vector<16xf32> to vector<1x16xf32>
        tpu.vector_store %arg5[%parallel_loop3A_494, %parallel_loop3A_495], %parallel_loop3A_498 {strides = array<i32>} : memref<8x4096xf32, #tpu.memory_space<vmem>>, vector<1x16xf32>,
        %parallel_loop3A_499 = arith.constant 4 : i32
        %parallel_loop3A_500 = arith.index_cast %parallel_loop3A_499 : i32 to index
        %parallel_loop3A_501 = arith.index_cast %parallel_loop3A_450 : i32 to index
        %parallel_loop3A_502 = tpu.vector_load %arg5[%parallel_loop3A_500, %parallel_loop3A_501] {strides = array<i32>} : memref<8x4096xf32, #tpu.memory_space<vmem>>, vector<1x16xf32>,
        %parallel_loop3A_503 = vector.shape_cast %parallel_loop3A_502 : vector<1x16xf32> to vector<16xf32>
        %parallel_loop3A_504 = arith.addf %parallel_loop3A_503, %get3A_300 : vector<16xf32>
        %parallel_loop3A_505 = arith.constant 4 : i32
        %parallel_loop3A_506 = arith.index_cast %parallel_loop3A_505 : i32 to index
        %parallel_loop3A_507 = arith.index_cast %parallel_loop3A_450 : i32 to index
        %parallel_loop3A_508 = tpu.vector_load %arg5[%parallel_loop3A_506, %parallel_loop3A_507] {strides = array<i32>} : memref<8x4096xf32, #tpu.memory_space<vmem>>, vector<1x16xf32>,
        %parallel_loop3A_509 = vector.shape_cast %parallel_loop3A_508 : vector<1x16xf32> to vector<16xf32>
        %parallel_loop3A_510 = vector.shape_cast %parallel_loop3A_504 : vector<16xf32> to vector<1x16xf32>
        tpu.vector_store %arg5[%parallel_loop3A_506, %parallel_loop3A_507], %parallel_loop3A_510 {strides = array<i32>} : memref<8x4096xf32, #tpu.memory_space<vmem>>, vector<1x16xf32>,
        %parallel_loop3A_511 = arith.constant 5 : i32
        %parallel_loop3A_512 = arith.index_cast %parallel_loop3A_511 : i32 to index
        %parallel_loop3A_513 = arith.index_cast %parallel_loop3A_450 : i32 to index
        %parallel_loop3A_514 = tpu.vector_load %arg5[%parallel_loop3A_512, %parallel_loop3A_513] {strides = array<i32>} : memref<8x4096xf32, #tpu.memory_space<vmem>>, vector<1x16xf32>,
        %parallel_loop3A_515 = vector.shape_cast %parallel_loop3A_514 : vector<1x16xf32> to vector<16xf32>
        %parallel_loop3A_516 = arith.addf %parallel_loop3A_515, %get3A_303 : vector<16xf32>
        %parallel_loop3A_517 = arith.constant 5 : i32
        %parallel_loop3A_518 = arith.index_cast %parallel_loop3A_517 : i32 to index
        %parallel_loop3A_519 = arith.index_cast %parallel_loop3A_450 : i32 to index
        %parallel_loop3A_520 = tpu.vector_load %arg5[%parallel_loop3A_518, %parallel_loop3A_519] {strides = array<i32>} : memref<8x4096xf32, #tpu.memory_space<vmem>>, vector<1x16xf32>,
        %parallel_loop3A_521 = vector.shape_cast %parallel_loop3A_520 : vector<1x16xf32> to vector<16xf32>
        %parallel_loop3A_522 = vector.shape_cast %parallel_loop3A_516 : vector<16xf32> to vector<1x16xf32>
        tpu.vector_store %arg5[%parallel_loop3A_518, %parallel_loop3A_519], %parallel_loop3A_522 {strides = array<i32>} : memref<8x4096xf32, #tpu.memory_space<vmem>>, vector<1x16xf32>,
        %parallel_loop3A_523 = arith.constant 6 : i32
        %parallel_loop3A_524 = arith.index_cast %parallel_loop3A_523 : i32 to index
        %parallel_loop3A_525 = arith.index_cast %parallel_loop3A_450 : i32 to index
        %parallel_loop3A_526 = tpu.vector_load %arg5[%parallel_loop3A_524, %parallel_loop3A_525] {strides = array<i32>} : memref<8x4096xf32, #tpu.memory_space<vmem>>, vector<1x16xf32>,
        %parallel_loop3A_527 = vector.shape_cast %parallel_loop3A_526 : vector<1x16xf32> to vector<16xf32>
        %parallel_loop3A_528 = arith.addf %parallel_loop3A_527, %get3A_306 : vector<16xf32>
        %parallel_loop3A_529 = arith.constant 6 : i32
        %parallel_loop3A_530 = arith.index_cast %parallel_loop3A_529 : i32 to index
        %parallel_loop3A_531 = arith.index_cast %parallel_loop3A_450 : i32 to index
        %parallel_loop3A_532 = tpu.vector_load %arg5[%parallel_loop3A_530, %parallel_loop3A_531] {strides = array<i32>} : memref<8x4096xf32, #tpu.memory_space<vmem>>, vector<1x16xf32>,
        %parallel_loop3A_533 = vector.shape_cast %parallel_loop3A_532 : vector<1x16xf32> to vector<16xf32>
        %parallel_loop3A_534 = vector.shape_cast %parallel_loop3A_528 : vector<16xf32> to vector<1x16xf32>
        tpu.vector_store %arg5[%parallel_loop3A_530, %parallel_loop3A_531], %parallel_loop3A_534 {strides = array<i32>} : memref<8x4096xf32, #tpu.memory_space<vmem>>, vector<1x16xf32>,
        %parallel_loop3A_535 = arith.constant 7 : i32
        %parallel_loop3A_536 = arith.index_cast %parallel_loop3A_535 : i32 to index
        %parallel_loop3A_537 = arith.index_cast %parallel_loop3A_450 : i32 to index
        %parallel_loop3A_538 = tpu.vector_load %arg5[%parallel_loop3A_536, %parallel_loop3A_537] {strides = array<i32>} : memref<8x4096xf32, #tpu.memory_space<vmem>>, vector<1x16xf32>,
        %parallel_loop3A_539 = vector.shape_cast %parallel_loop3A_538 : vector<1x16xf32> to vector<16xf32>
        %parallel_loop3A_540 = arith.addf %parallel_loop3A_539, %get3A_309 : vector<16xf32>
        %parallel_loop3A_541 = arith.constant 7 : i32
        %parallel_loop3A_542 = arith.index_cast %parallel_loop3A_541 : i32 to index
        %parallel_loop3A_543 = arith.index_cast %parallel_loop3A_450 : i32 to index
        %parallel_loop3A_544 = tpu.vector_load %arg5[%parallel_loop3A_542, %parallel_loop3A_543] {strides = array<i32>} : memref<8x4096xf32, #tpu.memory_space<vmem>>, vector<1x16xf32>,
        %parallel_loop3A_545 = vector.shape_cast %parallel_loop3A_544 : vector<1x16xf32> to vector<16xf32>
        %parallel_loop3A_546 = vector.shape_cast %parallel_loop3A_540 : vector<16xf32> to vector<1x16xf32>
        tpu.vector_store %arg5[%parallel_loop3A_542, %parallel_loop3A_543], %parallel_loop3A_546 {strides = array<i32>} : memref<8x4096xf32, #tpu.memory_space<vmem>>, vector<1x16xf32>,
      } {sc.loop_unroll_factor = 2 : i64, sc.parallel_access}
      %add3A_313 = arith.addi %mul3A_2, %mul3A_272 : i32
      %mul3A_314 = arith.constant 8 : i32
      %mul3A_315 = arith.muli %add3A_313, %mul3A_314 : i32
      %dma_start3A_316 = arith.constant 0 : i32
      %dma_start3A_317 = tpu.memref_slice %arg4[%mul3A_315, %dma_start3A_316] : memref<12800x4096xf32, #tpu.memory_space<hbm>> -> memref<8x4096xf32, #tpu.memory_space<hbm>>
      %dma_start3A_318 = arith.constant 0 : i32
      %dma_start3A_319 = tpu.memref_slice %arg4[%mul3A_315, %dma_start3A_318] : memref<12800x4096xf32, #tpu.memory_space<hbm>> -> memref<8x4096xf32, #tpu.memory_space<hbm>>
      tpu.enqueue_dma source(%arg5 : memref<8x4096xf32, #tpu.memory_space<vmem>>) target(%dma_start3A_319 : memref<8x4096xf32, #tpu.memory_space<hbm>>) target_semaphore(%arg14 : memref<!tpu.dma_semaphore, #tpu.memory_space<semaphore_mem>>)
      %ge3A_320 = arith.constant 1 : i32
      %ge3A_321 = arith.cmpi sge, %mul3A_272, %ge3A_320 : i32
      %add3A_322 = arith.constant 2 : i32
      %add3A_323 = arith.addi %mul3A_272, %add3A_322 : i32
      %lt3A_324 = arith.constant 50 : i32
      %lt3A_325 = arith.cmpi slt, %add3A_323, %lt3A_324 : i32
      %and3A_326 = arith.andi %ge3A_321, %lt3A_325 : i1
      %convert_element_type3A_327 = arith.extui %and3A_326 : i1 to i32
      %cond3A_328 = arith.constant 0 : i32
      %cond3A_329 = arith.cmpi ne, %convert_element_type3A_327, %cond3A_328 : i32
      scf.if %cond3A_329 {
        %dma_wait3A_448 = arith.constant 0 : i32
        %dma_wait3A_449 = arith.constant 0 : i32
        %dma_wait3A_450 = tpu.memref_slice %arg4[%dma_wait3A_448, %dma_wait3A_449] : memref<12800x4096xf32, #tpu.memory_space<hbm>> -> memref<8x4096xf32, #tpu.memory_space<hbm>>
        %dma_wait3A_451 = arith.constant 0 : i32
        %dma_wait3A_452 = arith.constant 0 : i32
        %dma_wait3A_453 = tpu.memref_slice %arg4[%dma_wait3A_451, %dma_wait3A_452] : memref<12800x4096xf32, #tpu.memory_space<hbm>> -> memref<8x4096xf32, #tpu.memory_space<hbm>>
        tpu.wait_dma2 semaphore(%arg16 : memref<!tpu.dma_semaphore, #tpu.memory_space<semaphore_mem>>) src(%arg7 : memref<8x4096xf32, #tpu.memory_space<vmem>>) dst(%dma_wait3A_453 : memref<8x4096xf32, #tpu.memory_space<hbm>>)
        %add3A_454 = arith.constant 2 : i32
        %add3A_455 = arith.addi %mul3A_272, %add3A_454 : i32
        %add3A_456 = arith.addi %mul3A_2, %add3A_455 : i32
        %jit3A_457 = arith.constant 8 : i32
        %div3A_458 = arith.divsi %add3A_456, %jit3A_457 : i32
        %sign3A_459 = arith.constant 0 : i32
        %sign3A_460 = arith.cmpi sgt, %add3A_456, %sign3A_459 : i32
        %sign3A_461 = arith.extui %sign3A_460 : i1 to i32
        %sign3A_462 = arith.constant 0 : i32
        %sign3A_463 = arith.cmpi slt, %add3A_456, %sign3A_462 : i32
        %sign3A_464 = arith.extui %sign3A_463 : i1 to i32
        %sign3A_465 = arith.subi %sign3A_461, %sign3A_464 : i32
        %sign3A_466 = arith.constant 0 : i32
        %sign3A_467 = arith.cmpi sgt, %jit3A_457, %sign3A_466 : i32
        %sign3A_468 = arith.extui %sign3A_467 : i1 to i32
        %sign3A_469 = arith.constant 0 : i32
        %sign3A_470 = arith.cmpi slt, %jit3A_457, %sign3A_469 : i32
        %sign3A_471 = arith.extui %sign3A_470 : i1 to i32
        %sign3A_472 = arith.subi %sign3A_468, %sign3A_471 : i32
        %ne3A_473 = arith.cmpi ne, %sign3A_465, %sign3A_472 : i32
        %rem3A_474 = arith.remsi %add3A_456, %jit3A_457 : i32
        %ne3A_475 = arith.constant 0 : i32
        %ne3A_476 = arith.cmpi ne, %rem3A_474, %ne3A_475 : i32
        %and3A_477 = arith.andi %ne3A_473, %ne3A_476 : i1
        %sub3A_478 = arith.constant 1 : i32
        %sub3A_479 = arith.subi %div3A_458, %sub3A_478 : i32
        %select_n3A_480 = arith.select %and3A_477, %sub3A_479, %div3A_458 : i32
        %mul3A_481 = arith.constant 8 : i32
        %mul3A_482 = arith.muli %select_n3A_480, %mul3A_481 : i32
        %sub3A_483 = arith.subi %add3A_456, %mul3A_482 : i32
        %sub3A_484 = arith.constant 199 : i32
        %sub3A_485 = arith.subi %sub3A_484, %select_n3A_480 : i32
        %mul3A_486 = arith.constant 8 : i32
        %mul3A_487 = arith.muli %sub3A_485, %mul3A_486 : i32
        %add3A_488 = arith.addi %mul3A_487, %sub3A_483 : i32
        %dma_start3A_489 = arith.constant 0 : i32
        %dma_start3A_490 = tpu.memref_slice %arg3[%add3A_488, %dma_start3A_489] : memref<1600x128xf32, #tpu.memory_space<hbm>> -> memref<1x128xf32, #tpu.memory_space<hbm>>
        %dma_start3A_491 = tpu.memref_squeeze %dma_start3A_490 : memref<1x128xf32, #tpu.memory_space<hbm>> -> memref<128xf32, #tpu.memory_space<hbm>>
        %dma_start3A_492 = arith.constant 0 : i32
        %dma_start3A_493 = tpu.memref_slice %arg3[%add3A_488, %dma_start3A_492] : memref<1600x128xf32, #tpu.memory_space<hbm>> -> memref<1x128xf32, #tpu.memory_space<hbm>>
        %dma_start3A_494 = tpu.memref_squeeze %dma_start3A_493 : memref<1x128xf32, #tpu.memory_space<hbm>> -> memref<128xf32, #tpu.memory_space<hbm>>
        tpu.enqueue_dma source(%dma_start3A_494 : memref<128xf32, #tpu.memory_space<hbm>>) target(%arg10 : memref<128xf32, #tpu.memory_space<vmem>>) target_semaphore(%arg13 : memref<!tpu.dma_semaphore, #tpu.memory_space<semaphore_mem>>)
        %mul3A_495 = arith.constant 8 : i32
        %mul3A_496 = arith.muli %add3A_456, %mul3A_495 : i32
        %dma_start3A_497 = arith.constant 0 : i32
        %dma_start3A_498 = tpu.memref_slice %arg2[%mul3A_496, %dma_start3A_497] : memref<12800x4096xf32, #tpu.memory_space<hbm>> -> memref<8x4096xf32, #tpu.memory_space<hbm>>
        %dma_start3A_499 = arith.constant 0 : i32
        %dma_start3A_500 = tpu.memref_slice %arg2[%mul3A_496, %dma_start3A_499] : memref<12800x4096xf32, #tpu.memory_space<hbm>> -> memref<8x4096xf32, #tpu.memory_space<hbm>>
        tpu.enqueue_dma source(%dma_start3A_500 : memref<8x4096xf32, #tpu.memory_space<hbm>>) target(%arg7 : memref<8x4096xf32, #tpu.memory_space<vmem>>) target_semaphore(%arg13 : memref<!tpu.dma_semaphore, #tpu.memory_space<semaphore_mem>>)
      } else {
      }
      %add3A_330 = arith.constant 1 : i32
      %add3A_331 = arith.addi %mul3A_272, %add3A_330 : i32
      %dma_wait3A_332 = arith.constant 0 : i32
      %dma_wait3A_333 = arith.constant 0 : i32
      %dma_wait3A_334 = tpu.memref_slice %arg3[%dma_wait3A_332, %dma_wait3A_333] : memref<1600x128xf32, #tpu.memory_space<hbm>> -> memref<1x128xf32, #tpu.memory_space<hbm>>
      %dma_wait3A_335 = tpu.memref_squeeze %dma_wait3A_334 : memref<1x128xf32, #tpu.memory_space<hbm>> -> memref<128xf32, #tpu.memory_space<hbm>>
      %dma_wait3A_336 = arith.constant 0 : i32
      %dma_wait3A_337 = tpu.memref_slice %arg3[%dma_wait3A_332, %dma_wait3A_336] : memref<1600x128xf32, #tpu.memory_space<hbm>> -> memref<1x128xf32, #tpu.memory_space<hbm>>
      %dma_wait3A_338 = tpu.memref_squeeze %dma_wait3A_337 : memref<1x128xf32, #tpu.memory_space<hbm>> -> memref<128xf32, #tpu.memory_space<hbm>>
      tpu.wait_dma2 semaphore(%arg12 : memref<!tpu.dma_semaphore, #tpu.memory_space<semaphore_mem>>) src(%dma_wait3A_338 : memref<128xf32, #tpu.memory_space<hbm>>) dst(%arg9 : memref<128xf32, #tpu.memory_space<vmem>>)
      %dma_wait3A_339 = arith.constant 0 : i32
      %dma_wait3A_340 = arith.constant 0 : i32
      %dma_wait3A_341 = tpu.memref_slice %arg2[%dma_wait3A_339, %dma_wait3A_340] : memref<12800x4096xf32, #tpu.memory_space<hbm>> -> memref<8x4096xf32, #tpu.memory_space<hbm>>
      %dma_wait3A_342 = arith.constant 0 : i32
      %dma_wait3A_343 = arith.constant 0 : i32
      %dma_wait3A_344 = tpu.memref_slice %arg2[%dma_wait3A_342, %dma_wait3A_343] : memref<12800x4096xf32, #tpu.memory_space<hbm>> -> memref<8x4096xf32, #tpu.memory_space<hbm>>
      tpu.wait_dma2 semaphore(%arg12 : memref<!tpu.dma_semaphore, #tpu.memory_space<semaphore_mem>>) src(%dma_wait3A_344 : memref<8x4096xf32, #tpu.memory_space<hbm>>) dst(%arg6 : memref<8x4096xf32, #tpu.memory_space<vmem>>)
      %get3A_345 = arith.constant 0 : index
      %get3A_346 = tpu.vector_load %arg9[%get3A_345] {strides = array<i32>} : memref<128xf32, #tpu.memory_space<vmem>>, vector<16xf32>,
      %get3A_347 = vector.shape_cast %get3A_346 : vector<16xf32> to vector<16xf32>
      %get3A_348 = arith.constant 16 : index
      %get3A_349 = tpu.vector_load %arg9[%get3A_348] {strides = array<i32>} : memref<128xf32, #tpu.memory_space<vmem>>, vector<16xf32>,
      %get3A_350 = vector.shape_cast %get3A_349 : vector<16xf32> to vector<16xf32>
      %get3A_351 = arith.constant 32 : index
      %get3A_352 = tpu.vector_load %arg9[%get3A_351] {strides = array<i32>} : memref<128xf32, #tpu.memory_space<vmem>>, vector<16xf32>,
      %get3A_353 = vector.shape_cast %get3A_352 : vector<16xf32> to vector<16xf32>
      %get3A_354 = arith.constant 48 : index
      %get3A_355 = tpu.vector_load %arg9[%get3A_354] {strides = array<i32>} : memref<128xf32, #tpu.memory_space<vmem>>, vector<16xf32>,
      %get3A_356 = vector.shape_cast %get3A_355 : vector<16xf32> to vector<16xf32>
      %get3A_357 = arith.constant 64 : index
      %get3A_358 = tpu.vector_load %arg9[%get3A_357] {strides = array<i32>} : memref<128xf32, #tpu.memory_space<vmem>>, vector<16xf32>,
      %get3A_359 = vector.shape_cast %get3A_358 : vector<16xf32> to vector<16xf32>
      %get3A_360 = arith.constant 80 : index
      %get3A_361 = tpu.vector_load %arg9[%get3A_360] {strides = array<i32>} : memref<128xf32, #tpu.memory_space<vmem>>, vector<16xf32>,
      %get3A_362 = vector.shape_cast %get3A_361 : vector<16xf32> to vector<16xf32>
      %get3A_363 = arith.constant 96 : index
      %get3A_364 = tpu.vector_load %arg9[%get3A_363] {strides = array<i32>} : memref<128xf32, #tpu.memory_space<vmem>>, vector<16xf32>,
      %get3A_365 = vector.shape_cast %get3A_364 : vector<16xf32> to vector<16xf32>
      %get3A_366 = arith.constant 112 : index
      %get3A_367 = tpu.vector_load %arg9[%get3A_366] {strides = array<i32>} : memref<128xf32, #tpu.memory_space<vmem>>, vector<16xf32>,
      %get3A_368 = vector.shape_cast %get3A_367 : vector<16xf32> to vector<16xf32>
      %parallel_loop3A_369 = arith.constant 0 : i32
      %parallel_loop3A_370 = arith.constant 256 : i32
      %parallel_loop3A_371 = arith.constant 1 : i32
      scf.for %parallel_loop3A_448 = %parallel_loop3A_369 to %parallel_loop3A_370 step %parallel_loop3A_371  : i32 {
        %parallel_loop3A_449 = arith.constant 16 : i32
        %parallel_loop3A_450 = arith.muli %parallel_loop3A_448, %parallel_loop3A_449 : i32
        %parallel_loop3A_451 = arith.constant 0 : i32
        %parallel_loop3A_452 = arith.index_cast %parallel_loop3A_451 : i32 to index
        %parallel_loop3A_453 = arith.index_cast %parallel_loop3A_450 : i32 to index
        %parallel_loop3A_454 = tpu.vector_load %arg6[%parallel_loop3A_452, %parallel_loop3A_453] {strides = array<i32>} : memref<8x4096xf32, #tpu.memory_space<vmem>>, vector<1x16xf32>,
        %parallel_loop3A_455 = vector.shape_cast %parallel_loop3A_454 : vector<1x16xf32> to vector<16xf32>
        %parallel_loop3A_456 = arith.addf %parallel_loop3A_455, %get3A_347 : vector<16xf32>
        %parallel_loop3A_457 = arith.constant 0 : i32
        %parallel_loop3A_458 = arith.index_cast %parallel_loop3A_457 : i32 to index
        %parallel_loop3A_459 = arith.index_cast %parallel_loop3A_450 : i32 to index
        %parallel_loop3A_460 = tpu.vector_load %arg6[%parallel_loop3A_458, %parallel_loop3A_459] {strides = array<i32>} : memref<8x4096xf32, #tpu.memory_space<vmem>>, vector<1x16xf32>,
        %parallel_loop3A_461 = vector.shape_cast %parallel_loop3A_460 : vector<1x16xf32> to vector<16xf32>
        %parallel_loop3A_462 = vector.shape_cast %parallel_loop3A_456 : vector<16xf32> to vector<1x16xf32>
        tpu.vector_store %arg6[%parallel_loop3A_458, %parallel_loop3A_459], %parallel_loop3A_462 {strides = array<i32>} : memref<8x4096xf32, #tpu.memory_space<vmem>>, vector<1x16xf32>,
        %parallel_loop3A_463 = arith.constant 1 : i32
        %parallel_loop3A_464 = arith.index_cast %parallel_loop3A_463 : i32 to index
        %parallel_loop3A_465 = arith.index_cast %parallel_loop3A_450 : i32 to index
        %parallel_loop3A_466 = tpu.vector_load %arg6[%parallel_loop3A_464, %parallel_loop3A_465] {strides = array<i32>} : memref<8x4096xf32, #tpu.memory_space<vmem>>, vector<1x16xf32>,
        %parallel_loop3A_467 = vector.shape_cast %parallel_loop3A_466 : vector<1x16xf32> to vector<16xf32>
        %parallel_loop3A_468 = arith.addf %parallel_loop3A_467, %get3A_350 : vector<16xf32>
        %parallel_loop3A_469 = arith.constant 1 : i32
        %parallel_loop3A_470 = arith.index_cast %parallel_loop3A_469 : i32 to index
        %parallel_loop3A_471 = arith.index_cast %parallel_loop3A_450 : i32 to index
        %parallel_loop3A_472 = tpu.vector_load %arg6[%parallel_loop3A_470, %parallel_loop3A_471] {strides = array<i32>} : memref<8x4096xf32, #tpu.memory_space<vmem>>, vector<1x16xf32>,
        %parallel_loop3A_473 = vector.shape_cast %parallel_loop3A_472 : vector<1x16xf32> to vector<16xf32>
        %parallel_loop3A_474 = vector.shape_cast %parallel_loop3A_468 : vector<16xf32> to vector<1x16xf32>
        tpu.vector_store %arg6[%parallel_loop3A_470, %parallel_loop3A_471], %parallel_loop3A_474 {strides = array<i32>} : memref<8x4096xf32, #tpu.memory_space<vmem>>, vector<1x16xf32>,
        %parallel_loop3A_475 = arith.constant 2 : i32
        %parallel_loop3A_476 = arith.index_cast %parallel_loop3A_475 : i32 to index
        %parallel_loop3A_477 = arith.index_cast %parallel_loop3A_450 : i32 to index
        %parallel_loop3A_478 = tpu.vector_load %arg6[%parallel_loop3A_476, %parallel_loop3A_477] {strides = array<i32>} : memref<8x4096xf32, #tpu.memory_space<vmem>>, vector<1x16xf32>,
        %parallel_loop3A_479 = vector.shape_cast %parallel_loop3A_478 : vector<1x16xf32> to vector<16xf32>
        %parallel_loop3A_480 = arith.addf %parallel_loop3A_479, %get3A_353 : vector<16xf32>
        %parallel_loop3A_481 = arith.constant 2 : i32
        %parallel_loop3A_482 = arith.index_cast %parallel_loop3A_481 : i32 to index
        %parallel_loop3A_483 = arith.index_cast %parallel_loop3A_450 : i32 to index
        %parallel_loop3A_484 = tpu.vector_load %arg6[%parallel_loop3A_482, %parallel_loop3A_483] {strides = array<i32>} : memref<8x4096xf32, #tpu.memory_space<vmem>>, vector<1x16xf32>,
        %parallel_loop3A_485 = vector.shape_cast %parallel_loop3A_484 : vector<1x16xf32> to vector<16xf32>
        %parallel_loop3A_486 = vector.shape_cast %parallel_loop3A_480 : vector<16xf32> to vector<1x16xf32>
        tpu.vector_store %arg6[%parallel_loop3A_482, %parallel_loop3A_483], %parallel_loop3A_486 {strides = array<i32>} : memref<8x4096xf32, #tpu.memory_space<vmem>>, vector<1x16xf32>,
        %parallel_loop3A_487 = arith.constant 3 : i32
        %parallel_loop3A_488 = arith.index_cast %parallel_loop3A_487 : i32 to index
        %parallel_loop3A_489 = arith.index_cast %parallel_loop3A_450 : i32 to index
        %parallel_loop3A_490 = tpu.vector_load %arg6[%parallel_loop3A_488, %parallel_loop3A_489] {strides = array<i32>} : memref<8x4096xf32, #tpu.memory_space<vmem>>, vector<1x16xf32>,
        %parallel_loop3A_491 = vector.shape_cast %parallel_loop3A_490 : vector<1x16xf32> to vector<16xf32>
        %parallel_loop3A_492 = arith.addf %parallel_loop3A_491, %get3A_356 : vector<16xf32>
        %parallel_loop3A_493 = arith.constant 3 : i32
        %parallel_loop3A_494 = arith.index_cast %parallel_loop3A_493 : i32 to index
        %parallel_loop3A_495 = arith.index_cast %parallel_loop3A_450 : i32 to index
        %parallel_loop3A_496 = tpu.vector_load %arg6[%parallel_loop3A_494, %parallel_loop3A_495] {strides = array<i32>} : memref<8x4096xf32, #tpu.memory_space<vmem>>, vector<1x16xf32>,
        %parallel_loop3A_497 = vector.shape_cast %parallel_loop3A_496 : vector<1x16xf32> to vector<16xf32>
        %parallel_loop3A_498 = vector.shape_cast %parallel_loop3A_492 : vector<16xf32> to vector<1x16xf32>
        tpu.vector_store %arg6[%parallel_loop3A_494, %parallel_loop3A_495], %parallel_loop3A_498 {strides = array<i32>} : memref<8x4096xf32, #tpu.memory_space<vmem>>, vector<1x16xf32>,
        %parallel_loop3A_499 = arith.constant 4 : i32
        %parallel_loop3A_500 = arith.index_cast %parallel_loop3A_499 : i32 to index
        %parallel_loop3A_501 = arith.index_cast %parallel_loop3A_450 : i32 to index
        %parallel_loop3A_502 = tpu.vector_load %arg6[%parallel_loop3A_500, %parallel_loop3A_501] {strides = array<i32>} : memref<8x4096xf32, #tpu.memory_space<vmem>>, vector<1x16xf32>,
        %parallel_loop3A_503 = vector.shape_cast %parallel_loop3A_502 : vector<1x16xf32> to vector<16xf32>
        %parallel_loop3A_504 = arith.addf %parallel_loop3A_503, %get3A_359 : vector<16xf32>
        %parallel_loop3A_505 = arith.constant 4 : i32
        %parallel_loop3A_506 = arith.index_cast %parallel_loop3A_505 : i32 to index
        %parallel_loop3A_507 = arith.index_cast %parallel_loop3A_450 : i32 to index
        %parallel_loop3A_508 = tpu.vector_load %arg6[%parallel_loop3A_506, %parallel_loop3A_507] {strides = array<i32>} : memref<8x4096xf32, #tpu.memory_space<vmem>>, vector<1x16xf32>,
        %parallel_loop3A_509 = vector.shape_cast %parallel_loop3A_508 : vector<1x16xf32> to vector<16xf32>
        %parallel_loop3A_510 = vector.shape_cast %parallel_loop3A_504 : vector<16xf32> to vector<1x16xf32>
        tpu.vector_store %arg6[%parallel_loop3A_506, %parallel_loop3A_507], %parallel_loop3A_510 {strides = array<i32>} : memref<8x4096xf32, #tpu.memory_space<vmem>>, vector<1x16xf32>,
        %parallel_loop3A_511 = arith.constant 5 : i32
        %parallel_loop3A_512 = arith.index_cast %parallel_loop3A_511 : i32 to index
        %parallel_loop3A_513 = arith.index_cast %parallel_loop3A_450 : i32 to index
        %parallel_loop3A_514 = tpu.vector_load %arg6[%parallel_loop3A_512, %parallel_loop3A_513] {strides = array<i32>} : memref<8x4096xf32, #tpu.memory_space<vmem>>, vector<1x16xf32>,
        %parallel_loop3A_515 = vector.shape_cast %parallel_loop3A_514 : vector<1x16xf32> to vector<16xf32>
        %parallel_loop3A_516 = arith.addf %parallel_loop3A_515, %get3A_362 : vector<16xf32>
        %parallel_loop3A_517 = arith.constant 5 : i32
        %parallel_loop3A_518 = arith.index_cast %parallel_loop3A_517 : i32 to index
        %parallel_loop3A_519 = arith.index_cast %parallel_loop3A_450 : i32 to index
        %parallel_loop3A_520 = tpu.vector_load %arg6[%parallel_loop3A_518, %parallel_loop3A_519] {strides = array<i32>} : memref<8x4096xf32, #tpu.memory_space<vmem>>, vector<1x16xf32>,
        %parallel_loop3A_521 = vector.shape_cast %parallel_loop3A_520 : vector<1x16xf32> to vector<16xf32>
        %parallel_loop3A_522 = vector.shape_cast %parallel_loop3A_516 : vector<16xf32> to vector<1x16xf32>
        tpu.vector_store %arg6[%parallel_loop3A_518, %parallel_loop3A_519], %parallel_loop3A_522 {strides = array<i32>} : memref<8x4096xf32, #tpu.memory_space<vmem>>, vector<1x16xf32>,
        %parallel_loop3A_523 = arith.constant 6 : i32
        %parallel_loop3A_524 = arith.index_cast %parallel_loop3A_523 : i32 to index
        %parallel_loop3A_525 = arith.index_cast %parallel_loop3A_450 : i32 to index
        %parallel_loop3A_526 = tpu.vector_load %arg6[%parallel_loop3A_524, %parallel_loop3A_525] {strides = array<i32>} : memref<8x4096xf32, #tpu.memory_space<vmem>>, vector<1x16xf32>,
        %parallel_loop3A_527 = vector.shape_cast %parallel_loop3A_526 : vector<1x16xf32> to vector<16xf32>
        %parallel_loop3A_528 = arith.addf %parallel_loop3A_527, %get3A_365 : vector<16xf32>
        %parallel_loop3A_529 = arith.constant 6 : i32
        %parallel_loop3A_530 = arith.index_cast %parallel_loop3A_529 : i32 to index
        %parallel_loop3A_531 = arith.index_cast %parallel_loop3A_450 : i32 to index
        %parallel_loop3A_532 = tpu.vector_load %arg6[%parallel_loop3A_530, %parallel_loop3A_531] {strides = array<i32>} : memref<8x4096xf32, #tpu.memory_space<vmem>>, vector<1x16xf32>,
        %parallel_loop3A_533 = vector.shape_cast %parallel_loop3A_532 : vector<1x16xf32> to vector<16xf32>
        %parallel_loop3A_534 = vector.shape_cast %parallel_loop3A_528 : vector<16xf32> to vector<1x16xf32>
        tpu.vector_store %arg6[%parallel_loop3A_530, %parallel_loop3A_531], %parallel_loop3A_534 {strides = array<i32>} : memref<8x4096xf32, #tpu.memory_space<vmem>>, vector<1x16xf32>,
        %parallel_loop3A_535 = arith.constant 7 : i32
        %parallel_loop3A_536 = arith.index_cast %parallel_loop3A_535 : i32 to index
        %parallel_loop3A_537 = arith.index_cast %parallel_loop3A_450 : i32 to index
        %parallel_loop3A_538 = tpu.vector_load %arg6[%parallel_loop3A_536, %parallel_loop3A_537] {strides = array<i32>} : memref<8x4096xf32, #tpu.memory_space<vmem>>, vector<1x16xf32>,
        %parallel_loop3A_539 = vector.shape_cast %parallel_loop3A_538 : vector<1x16xf32> to vector<16xf32>
        %parallel_loop3A_540 = arith.addf %parallel_loop3A_539, %get3A_368 : vector<16xf32>
        %parallel_loop3A_541 = arith.constant 7 : i32
        %parallel_loop3A_542 = arith.index_cast %parallel_loop3A_541 : i32 to index
        %parallel_loop3A_543 = arith.index_cast %parallel_loop3A_450 : i32 to index
        %parallel_loop3A_544 = tpu.vector_load %arg6[%parallel_loop3A_542, %parallel_loop3A_543] {strides = array<i32>} : memref<8x4096xf32, #tpu.memory_space<vmem>>, vector<1x16xf32>,
        %parallel_loop3A_545 = vector.shape_cast %parallel_loop3A_544 : vector<1x16xf32> to vector<16xf32>
        %parallel_loop3A_546 = vector.shape_cast %parallel_loop3A_540 : vector<16xf32> to vector<1x16xf32>
        tpu.vector_store %arg6[%parallel_loop3A_542, %parallel_loop3A_543], %parallel_loop3A_546 {strides = array<i32>} : memref<8x4096xf32, #tpu.memory_space<vmem>>, vector<1x16xf32>,
      } {sc.loop_unroll_factor = 2 : i64, sc.parallel_access}
      %add3A_372 = arith.addi %mul3A_2, %add3A_331 : i32
      %mul3A_373 = arith.constant 8 : i32
      %mul3A_374 = arith.muli %add3A_372, %mul3A_373 : i32
      %dma_start3A_375 = arith.constant 0 : i32
      %dma_start3A_376 = tpu.memref_slice %arg4[%mul3A_374, %dma_start3A_375] : memref<12800x4096xf32, #tpu.memory_space<hbm>> -> memref<8x4096xf32, #tpu.memory_space<hbm>>
      %dma_start3A_377 = arith.constant 0 : i32
      %dma_start3A_378 = tpu.memref_slice %arg4[%mul3A_374, %dma_start3A_377] : memref<12800x4096xf32, #tpu.memory_space<hbm>> -> memref<8x4096xf32, #tpu.memory_space<hbm>>
      tpu.enqueue_dma source(%arg6 : memref<8x4096xf32, #tpu.memory_space<vmem>>) target(%dma_start3A_378 : memref<8x4096xf32, #tpu.memory_space<hbm>>) target_semaphore(%arg15 : memref<!tpu.dma_semaphore, #tpu.memory_space<semaphore_mem>>)
      %ge3A_379 = arith.constant 1 : i32
      %ge3A_380 = arith.cmpi sge, %add3A_331, %ge3A_379 : i32
      %add3A_381 = arith.constant 2 : i32
      %add3A_382 = arith.addi %add3A_331, %add3A_381 : i32
      %lt3A_383 = arith.constant 50 : i32
      %lt3A_384 = arith.cmpi slt, %add3A_382, %lt3A_383 : i32
      %and3A_385 = arith.andi %ge3A_380, %lt3A_384 : i1
      %convert_element_type3A_386 = arith.extui %and3A_385 : i1 to i32
      %cond3A_387 = arith.constant 0 : i32
      %cond3A_388 = arith.cmpi ne, %convert_element_type3A_386, %cond3A_387 : i32
      scf.if %cond3A_388 {
        %dma_wait3A_448 = arith.constant 0 : i32
        %dma_wait3A_449 = arith.constant 0 : i32
        %dma_wait3A_450 = tpu.memref_slice %arg4[%dma_wait3A_448, %dma_wait3A_449] : memref<12800x4096xf32, #tpu.memory_space<hbm>> -> memref<8x4096xf32, #tpu.memory_space<hbm>>
        %dma_wait3A_451 = arith.constant 0 : i32
        %dma_wait3A_452 = arith.constant 0 : i32
        %dma_wait3A_453 = tpu.memref_slice %arg4[%dma_wait3A_451, %dma_wait3A_452] : memref<12800x4096xf32, #tpu.memory_space<hbm>> -> memref<8x4096xf32, #tpu.memory_space<hbm>>
        tpu.wait_dma2 semaphore(%arg14 : memref<!tpu.dma_semaphore, #tpu.memory_space<semaphore_mem>>) src(%arg5 : memref<8x4096xf32, #tpu.memory_space<vmem>>) dst(%dma_wait3A_453 : memref<8x4096xf32, #tpu.memory_space<hbm>>)
        %add3A_454 = arith.constant 2 : i32
        %add3A_455 = arith.addi %add3A_331, %add3A_454 : i32
        %add3A_456 = arith.addi %mul3A_2, %add3A_455 : i32
        %jit3A_457 = arith.constant 8 : i32
        %div3A_458 = arith.divsi %add3A_456, %jit3A_457 : i32
        %sign3A_459 = arith.constant 0 : i32
        %sign3A_460 = arith.cmpi sgt, %add3A_456, %sign3A_459 : i32
        %sign3A_461 = arith.extui %sign3A_460 : i1 to i32
        %sign3A_462 = arith.constant 0 : i32
        %sign3A_463 = arith.cmpi slt, %add3A_456, %sign3A_462 : i32
        %sign3A_464 = arith.extui %sign3A_463 : i1 to i32
        %sign3A_465 = arith.subi %sign3A_461, %sign3A_464 : i32
        %sign3A_466 = arith.constant 0 : i32
        %sign3A_467 = arith.cmpi sgt, %jit3A_457, %sign3A_466 : i32
        %sign3A_468 = arith.extui %sign3A_467 : i1 to i32
        %sign3A_469 = arith.constant 0 : i32
        %sign3A_470 = arith.cmpi slt, %jit3A_457, %sign3A_469 : i32
        %sign3A_471 = arith.extui %sign3A_470 : i1 to i32
        %sign3A_472 = arith.subi %sign3A_468, %sign3A_471 : i32
        %ne3A_473 = arith.cmpi ne, %sign3A_465, %sign3A_472 : i32
        %rem3A_474 = arith.remsi %add3A_456, %jit3A_457 : i32
        %ne3A_475 = arith.constant 0 : i32
        %ne3A_476 = arith.cmpi ne, %rem3A_474, %ne3A_475 : i32
        %and3A_477 = arith.andi %ne3A_473, %ne3A_476 : i1
        %sub3A_478 = arith.constant 1 : i32
        %sub3A_479 = arith.subi %div3A_458, %sub3A_478 : i32
        %select_n3A_480 = arith.select %and3A_477, %sub3A_479, %div3A_458 : i32
        %mul3A_481 = arith.constant 8 : i32
        %mul3A_482 = arith.muli %select_n3A_480, %mul3A_481 : i32
        %sub3A_483 = arith.subi %add3A_456, %mul3A_482 : i32
        %sub3A_484 = arith.constant 199 : i32
        %sub3A_485 = arith.subi %sub3A_484, %select_n3A_480 : i32
        %mul3A_486 = arith.constant 8 : i32
        %mul3A_487 = arith.muli %sub3A_485, %mul3A_486 : i32
        %add3A_488 = arith.addi %mul3A_487, %sub3A_483 : i32
        %dma_start3A_489 = arith.constant 0 : i32
        %dma_start3A_490 = tpu.memref_slice %arg3[%add3A_488, %dma_start3A_489] : memref<1600x128xf32, #tpu.memory_space<hbm>> -> memref<1x128xf32, #tpu.memory_space<hbm>>
        %dma_start3A_491 = tpu.memref_squeeze %dma_start3A_490 : memref<1x128xf32, #tpu.memory_space<hbm>> -> memref<128xf32, #tpu.memory_space<hbm>>
        %dma_start3A_492 = arith.constant 0 : i32
        %dma_start3A_493 = tpu.memref_slice %arg3[%add3A_488, %dma_start3A_492] : memref<1600x128xf32, #tpu.memory_space<hbm>> -> memref<1x128xf32, #tpu.memory_space<hbm>>
        %dma_start3A_494 = tpu.memref_squeeze %dma_start3A_493 : memref<1x128xf32, #tpu.memory_space<hbm>> -> memref<128xf32, #tpu.memory_space<hbm>>
        tpu.enqueue_dma source(%dma_start3A_494 : memref<128xf32, #tpu.memory_space<hbm>>) target(%arg8 : memref<128xf32, #tpu.memory_space<vmem>>) target_semaphore(%arg11 : memref<!tpu.dma_semaphore, #tpu.memory_space<semaphore_mem>>)
        %mul3A_495 = arith.constant 8 : i32
        %mul3A_496 = arith.muli %add3A_456, %mul3A_495 : i32
        %dma_start3A_497 = arith.constant 0 : i32
        %dma_start3A_498 = tpu.memref_slice %arg2[%mul3A_496, %dma_start3A_497] : memref<12800x4096xf32, #tpu.memory_space<hbm>> -> memref<8x4096xf32, #tpu.memory_space<hbm>>
        %dma_start3A_499 = arith.constant 0 : i32
        %dma_start3A_500 = tpu.memref_slice %arg2[%mul3A_496, %dma_start3A_499] : memref<12800x4096xf32, #tpu.memory_space<hbm>> -> memref<8x4096xf32, #tpu.memory_space<hbm>>
        tpu.enqueue_dma source(%dma_start3A_500 : memref<8x4096xf32, #tpu.memory_space<hbm>>) target(%arg5 : memref<8x4096xf32, #tpu.memory_space<vmem>>) target_semaphore(%arg11 : memref<!tpu.dma_semaphore, #tpu.memory_space<semaphore_mem>>)
      } else {
      }
      %add3A_389 = arith.constant 2 : i32
      %add3A_390 = arith.addi %mul3A_272, %add3A_389 : i32
      %dma_wait3A_391 = arith.constant 0 : i32
      %dma_wait3A_392 = arith.constant 0 : i32
      %dma_wait3A_393 = tpu.memref_slice %arg3[%dma_wait3A_391, %dma_wait3A_392] : memref<1600x128xf32, #tpu.memory_space<hbm>> -> memref<1x128xf32, #tpu.memory_space<hbm>>
      %dma_wait3A_394 = tpu.memref_squeeze %dma_wait3A_393 : memref<1x128xf32, #tpu.memory_space<hbm>> -> memref<128xf32, #tpu.memory_space<hbm>>
      %dma_wait3A_395 = arith.constant 0 : i32
      %dma_wait3A_396 = tpu.memref_slice %arg3[%dma_wait3A_391, %dma_wait3A_395] : memref<1600x128xf32, #tpu.memory_space<hbm>> -> memref<1x128xf32, #tpu.memory_space<hbm>>
      %dma_wait3A_397 = tpu.memref_squeeze %dma_wait3A_396 : memref<1x128xf32, #tpu.memory_space<hbm>> -> memref<128xf32, #tpu.memory_space<hbm>>
      tpu.wait_dma2 semaphore(%arg13 : memref<!tpu.dma_semaphore, #tpu.memory_space<semaphore_mem>>) src(%dma_wait3A_397 : memref<128xf32, #tpu.memory_space<hbm>>) dst(%arg10 : memref<128xf32, #tpu.memory_space<vmem>>)
      %dma_wait3A_398 = arith.constant 0 : i32
      %dma_wait3A_399 = arith.constant 0 : i32
      %dma_wait3A_400 = tpu.memref_slice %arg2[%dma_wait3A_398, %dma_wait3A_399] : memref<12800x4096xf32, #tpu.memory_space<hbm>> -> memref<8x4096xf32, #tpu.memory_space<hbm>>
      %dma_wait3A_401 = arith.constant 0 : i32
      %dma_wait3A_402 = arith.constant 0 : i32
      %dma_wait3A_403 = tpu.memref_slice %arg2[%dma_wait3A_401, %dma_wait3A_402] : memref<12800x4096xf32, #tpu.memory_space<hbm>> -> memref<8x4096xf32, #tpu.memory_space<hbm>>
      tpu.wait_dma2 semaphore(%arg13 : memref<!tpu.dma_semaphore, #tpu.memory_space<semaphore_mem>>) src(%dma_wait3A_403 : memref<8x4096xf32, #tpu.memory_space<hbm>>) dst(%arg7 : memref<8x4096xf32, #tpu.memory_space<vmem>>)
      %get3A_404 = arith.constant 0 : index
      %get3A_405 = tpu.vector_load %arg10[%get3A_404] {strides = array<i32>} : memref<128xf32, #tpu.memory_space<vmem>>, vector<16xf32>,
      %get3A_406 = vector.shape_cast %get3A_405 : vector<16xf32> to vector<16xf32>
      %get3A_407 = arith.constant 16 : index
      %get3A_408 = tpu.vector_load %arg10[%get3A_407] {strides = array<i32>} : memref<128xf32, #tpu.memory_space<vmem>>, vector<16xf32>,
      %get3A_409 = vector.shape_cast %get3A_408 : vector<16xf32> to vector<16xf32>
      %get3A_410 = arith.constant 32 : index
      %get3A_411 = tpu.vector_load %arg10[%get3A_410] {strides = array<i32>} : memref<128xf32, #tpu.memory_space<vmem>>, vector<16xf32>,
      %get3A_412 = vector.shape_cast %get3A_411 : vector<16xf32> to vector<16xf32>
      %get3A_413 = arith.constant 48 : index
      %get3A_414 = tpu.vector_load %arg10[%get3A_413] {strides = array<i32>} : memref<128xf32, #tpu.memory_space<vmem>>, vector<16xf32>,
      %get3A_415 = vector.shape_cast %get3A_414 : vector<16xf32> to vector<16xf32>
      %get3A_416 = arith.constant 64 : index
      %get3A_417 = tpu.vector_load %arg10[%get3A_416] {strides = array<i32>} : memref<128xf32, #tpu.memory_space<vmem>>, vector<16xf32>,
      %get3A_418 = vector.shape_cast %get3A_417 : vector<16xf32> to vector<16xf32>
      %get3A_419 = arith.constant 80 : index
      %get3A_420 = tpu.vector_load %arg10[%get3A_419] {strides = array<i32>} : memref<128xf32, #tpu.memory_space<vmem>>, vector<16xf32>,
      %get3A_421 = vector.shape_cast %get3A_420 : vector<16xf32> to vector<16xf32>
      %get3A_422 = arith.constant 96 : index
      %get3A_423 = tpu.vector_load %arg10[%get3A_422] {strides = array<i32>} : memref<128xf32, #tpu.memory_space<vmem>>, vector<16xf32>,
      %get3A_424 = vector.shape_cast %get3A_423 : vector<16xf32> to vector<16xf32>
      %get3A_425 = arith.constant 112 : index
      %get3A_426 = tpu.vector_load %arg10[%get3A_425] {strides = array<i32>} : memref<128xf32, #tpu.memory_space<vmem>>, vector<16xf32>,
      %get3A_427 = vector.shape_cast %get3A_426 : vector<16xf32> to vector<16xf32>
      %parallel_loop3A_428 = arith.constant 0 : i32
      %parallel_loop3A_429 = arith.constant 256 : i32
      %parallel_loop3A_430 = arith.constant 1 : i32
      scf.for %parallel_loop3A_448 = %parallel_loop3A_428 to %parallel_loop3A_429 step %parallel_loop3A_430  : i32 {
        %parallel_loop3A_449 = arith.constant 16 : i32
        %parallel_loop3A_450 = arith.muli %parallel_loop3A_448, %parallel_loop3A_449 : i32
        %parallel_loop3A_451 = arith.constant 0 : i32
        %parallel_loop3A_452 = arith.index_cast %parallel_loop3A_451 : i32 to index
        %parallel_loop3A_453 = arith.index_cast %parallel_loop3A_450 : i32 to index
        %parallel_loop3A_454 = tpu.vector_load %arg7[%parallel_loop3A_452, %parallel_loop3A_453] {strides = array<i32>} : memref<8x4096xf32, #tpu.memory_space<vmem>>, vector<1x16xf32>,
        %parallel_loop3A_455 = vector.shape_cast %parallel_loop3A_454 : vector<1x16xf32> to vector<16xf32>
        %parallel_loop3A_456 = arith.addf %parallel_loop3A_455, %get3A_406 : vector<16xf32>
        %parallel_loop3A_457 = arith.constant 0 : i32
        %parallel_loop3A_458 = arith.index_cast %parallel_loop3A_457 : i32 to index
        %parallel_loop3A_459 = arith.index_cast %parallel_loop3A_450 : i32 to index
        %parallel_loop3A_460 = tpu.vector_load %arg7[%parallel_loop3A_458, %parallel_loop3A_459] {strides = array<i32>} : memref<8x4096xf32, #tpu.memory_space<vmem>>, vector<1x16xf32>,
        %parallel_loop3A_461 = vector.shape_cast %parallel_loop3A_460 : vector<1x16xf32> to vector<16xf32>
        %parallel_loop3A_462 = vector.shape_cast %parallel_loop3A_456 : vector<16xf32> to vector<1x16xf32>
        tpu.vector_store %arg7[%parallel_loop3A_458, %parallel_loop3A_459], %parallel_loop3A_462 {strides = array<i32>} : memref<8x4096xf32, #tpu.memory_space<vmem>>, vector<1x16xf32>,
        %parallel_loop3A_463 = arith.constant 1 : i32
        %parallel_loop3A_464 = arith.index_cast %parallel_loop3A_463 : i32 to index
        %parallel_loop3A_465 = arith.index_cast %parallel_loop3A_450 : i32 to index
        %parallel_loop3A_466 = tpu.vector_load %arg7[%parallel_loop3A_464, %parallel_loop3A_465] {strides = array<i32>} : memref<8x4096xf32, #tpu.memory_space<vmem>>, vector<1x16xf32>,
        %parallel_loop3A_467 = vector.shape_cast %parallel_loop3A_466 : vector<1x16xf32> to vector<16xf32>
        %parallel_loop3A_468 = arith.addf %parallel_loop3A_467, %get3A_409 : vector<16xf32>
        %parallel_loop3A_469 = arith.constant 1 : i32
        %parallel_loop3A_470 = arith.index_cast %parallel_loop3A_469 : i32 to index
        %parallel_loop3A_471 = arith.index_cast %parallel_loop3A_450 : i32 to index
        %parallel_loop3A_472 = tpu.vector_load %arg7[%parallel_loop3A_470, %parallel_loop3A_471] {strides = array<i32>} : memref<8x4096xf32, #tpu.memory_space<vmem>>, vector<1x16xf32>,
        %parallel_loop3A_473 = vector.shape_cast %parallel_loop3A_472 : vector<1x16xf32> to vector<16xf32>
        %parallel_loop3A_474 = vector.shape_cast %parallel_loop3A_468 : vector<16xf32> to vector<1x16xf32>
        tpu.vector_store %arg7[%parallel_loop3A_470, %parallel_loop3A_471], %parallel_loop3A_474 {strides = array<i32>} : memref<8x4096xf32, #tpu.memory_space<vmem>>, vector<1x16xf32>,
        %parallel_loop3A_475 = arith.constant 2 : i32
        %parallel_loop3A_476 = arith.index_cast %parallel_loop3A_475 : i32 to index
        %parallel_loop3A_477 = arith.index_cast %parallel_loop3A_450 : i32 to index
        %parallel_loop3A_478 = tpu.vector_load %arg7[%parallel_loop3A_476, %parallel_loop3A_477] {strides = array<i32>} : memref<8x4096xf32, #tpu.memory_space<vmem>>, vector<1x16xf32>,
        %parallel_loop3A_479 = vector.shape_cast %parallel_loop3A_478 : vector<1x16xf32> to vector<16xf32>
        %parallel_loop3A_480 = arith.addf %parallel_loop3A_479, %get3A_412 : vector<16xf32>
        %parallel_loop3A_481 = arith.constant 2 : i32
        %parallel_loop3A_482 = arith.index_cast %parallel_loop3A_481 : i32 to index
        %parallel_loop3A_483 = arith.index_cast %parallel_loop3A_450 : i32 to index
        %parallel_loop3A_484 = tpu.vector_load %arg7[%parallel_loop3A_482, %parallel_loop3A_483] {strides = array<i32>} : memref<8x4096xf32, #tpu.memory_space<vmem>>, vector<1x16xf32>,
        %parallel_loop3A_485 = vector.shape_cast %parallel_loop3A_484 : vector<1x16xf32> to vector<16xf32>
        %parallel_loop3A_486 = vector.shape_cast %parallel_loop3A_480 : vector<16xf32> to vector<1x16xf32>
        tpu.vector_store %arg7[%parallel_loop3A_482, %parallel_loop3A_483], %parallel_loop3A_486 {strides = array<i32>} : memref<8x4096xf32, #tpu.memory_space<vmem>>, vector<1x16xf32>,
        %parallel_loop3A_487 = arith.constant 3 : i32
        %parallel_loop3A_488 = arith.index_cast %parallel_loop3A_487 : i32 to index
        %parallel_loop3A_489 = arith.index_cast %parallel_loop3A_450 : i32 to index
        %parallel_loop3A_490 = tpu.vector_load %arg7[%parallel_loop3A_488, %parallel_loop3A_489] {strides = array<i32>} : memref<8x4096xf32, #tpu.memory_space<vmem>>, vector<1x16xf32>,
        %parallel_loop3A_491 = vector.shape_cast %parallel_loop3A_490 : vector<1x16xf32> to vector<16xf32>
        %parallel_loop3A_492 = arith.addf %parallel_loop3A_491, %get3A_415 : vector<16xf32>
        %parallel_loop3A_493 = arith.constant 3 : i32
        %parallel_loop3A_494 = arith.index_cast %parallel_loop3A_493 : i32 to index
        %parallel_loop3A_495 = arith.index_cast %parallel_loop3A_450 : i32 to index
        %parallel_loop3A_496 = tpu.vector_load %arg7[%parallel_loop3A_494, %parallel_loop3A_495] {strides = array<i32>} : memref<8x4096xf32, #tpu.memory_space<vmem>>, vector<1x16xf32>,
        %parallel_loop3A_497 = vector.shape_cast %parallel_loop3A_496 : vector<1x16xf32> to vector<16xf32>
        %parallel_loop3A_498 = vector.shape_cast %parallel_loop3A_492 : vector<16xf32> to vector<1x16xf32>
        tpu.vector_store %arg7[%parallel_loop3A_494, %parallel_loop3A_495], %parallel_loop3A_498 {strides = array<i32>} : memref<8x4096xf32, #tpu.memory_space<vmem>>, vector<1x16xf32>,
        %parallel_loop3A_499 = arith.constant 4 : i32
        %parallel_loop3A_500 = arith.index_cast %parallel_loop3A_499 : i32 to index
        %parallel_loop3A_501 = arith.index_cast %parallel_loop3A_450 : i32 to index
        %parallel_loop3A_502 = tpu.vector_load %arg7[%parallel_loop3A_500, %parallel_loop3A_501] {strides = array<i32>} : memref<8x4096xf32, #tpu.memory_space<vmem>>, vector<1x16xf32>,
        %parallel_loop3A_503 = vector.shape_cast %parallel_loop3A_502 : vector<1x16xf32> to vector<16xf32>
        %parallel_loop3A_504 = arith.addf %parallel_loop3A_503, %get3A_418 : vector<16xf32>
        %parallel_loop3A_505 = arith.constant 4 : i32
        %parallel_loop3A_506 = arith.index_cast %parallel_loop3A_505 : i32 to index
        %parallel_loop3A_507 = arith.index_cast %parallel_loop3A_450 : i32 to index
        %parallel_loop3A_508 = tpu.vector_load %arg7[%parallel_loop3A_506, %parallel_loop3A_507] {strides = array<i32>} : memref<8x4096xf32, #tpu.memory_space<vmem>>, vector<1x16xf32>,
        %parallel_loop3A_509 = vector.shape_cast %parallel_loop3A_508 : vector<1x16xf32> to vector<16xf32>
        %parallel_loop3A_510 = vector.shape_cast %parallel_loop3A_504 : vector<16xf32> to vector<1x16xf32>
        tpu.vector_store %arg7[%parallel_loop3A_506, %parallel_loop3A_507], %parallel_loop3A_510 {strides = array<i32>} : memref<8x4096xf32, #tpu.memory_space<vmem>>, vector<1x16xf32>,
        %parallel_loop3A_511 = arith.constant 5 : i32
        %parallel_loop3A_512 = arith.index_cast %parallel_loop3A_511 : i32 to index
        %parallel_loop3A_513 = arith.index_cast %parallel_loop3A_450 : i32 to index
        %parallel_loop3A_514 = tpu.vector_load %arg7[%parallel_loop3A_512, %parallel_loop3A_513] {strides = array<i32>} : memref<8x4096xf32, #tpu.memory_space<vmem>>, vector<1x16xf32>,
        %parallel_loop3A_515 = vector.shape_cast %parallel_loop3A_514 : vector<1x16xf32> to vector<16xf32>
        %parallel_loop3A_516 = arith.addf %parallel_loop3A_515, %get3A_421 : vector<16xf32>
        %parallel_loop3A_517 = arith.constant 5 : i32
        %parallel_loop3A_518 = arith.index_cast %parallel_loop3A_517 : i32 to index
        %parallel_loop3A_519 = arith.index_cast %parallel_loop3A_450 : i32 to index
        %parallel_loop3A_520 = tpu.vector_load %arg7[%parallel_loop3A_518, %parallel_loop3A_519] {strides = array<i32>} : memref<8x4096xf32, #tpu.memory_space<vmem>>, vector<1x16xf32>,
        %parallel_loop3A_521 = vector.shape_cast %parallel_loop3A_520 : vector<1x16xf32> to vector<16xf32>
        %parallel_loop3A_522 = vector.shape_cast %parallel_loop3A_516 : vector<16xf32> to vector<1x16xf32>
        tpu.vector_store %arg7[%parallel_loop3A_518, %parallel_loop3A_519], %parallel_loop3A_522 {strides = array<i32>} : memref<8x4096xf32, #tpu.memory_space<vmem>>, vector<1x16xf32>,
        %parallel_loop3A_523 = arith.constant 6 : i32
        %parallel_loop3A_524 = arith.index_cast %parallel_loop3A_523 : i32 to index
        %parallel_loop3A_525 = arith.index_cast %parallel_loop3A_450 : i32 to index
        %parallel_loop3A_526 = tpu.vector_load %arg7[%parallel_loop3A_524, %parallel_loop3A_525] {strides = array<i32>} : memref<8x4096xf32, #tpu.memory_space<vmem>>, vector<1x16xf32>,
        %parallel_loop3A_527 = vector.shape_cast %parallel_loop3A_526 : vector<1x16xf32> to vector<16xf32>
        %parallel_loop3A_528 = arith.addf %parallel_loop3A_527, %get3A_424 : vector<16xf32>
        %parallel_loop3A_529 = arith.constant 6 : i32
        %parallel_loop3A_530 = arith.index_cast %parallel_loop3A_529 : i32 to index
        %parallel_loop3A_531 = arith.index_cast %parallel_loop3A_450 : i32 to index
        %parallel_loop3A_532 = tpu.vector_load %arg7[%parallel_loop3A_530, %parallel_loop3A_531] {strides = array<i32>} : memref<8x4096xf32, #tpu.memory_space<vmem>>, vector<1x16xf32>,
        %parallel_loop3A_533 = vector.shape_cast %parallel_loop3A_532 : vector<1x16xf32> to vector<16xf32>
        %parallel_loop3A_534 = vector.shape_cast %parallel_loop3A_528 : vector<16xf32> to vector<1x16xf32>
        tpu.vector_store %arg7[%parallel_loop3A_530, %parallel_loop3A_531], %parallel_loop3A_534 {strides = array<i32>} : memref<8x4096xf32, #tpu.memory_space<vmem>>, vector<1x16xf32>,
        %parallel_loop3A_535 = arith.constant 7 : i32
        %parallel_loop3A_536 = arith.index_cast %parallel_loop3A_535 : i32 to index
        %parallel_loop3A_537 = arith.index_cast %parallel_loop3A_450 : i32 to index
        %parallel_loop3A_538 = tpu.vector_load %arg7[%parallel_loop3A_536, %parallel_loop3A_537] {strides = array<i32>} : memref<8x4096xf32, #tpu.memory_space<vmem>>, vector<1x16xf32>,
        %parallel_loop3A_539 = vector.shape_cast %parallel_loop3A_538 : vector<1x16xf32> to vector<16xf32>
        %parallel_loop3A_540 = arith.addf %parallel_loop3A_539, %get3A_427 : vector<16xf32>
        %parallel_loop3A_541 = arith.constant 7 : i32
        %parallel_loop3A_542 = arith.index_cast %parallel_loop3A_541 : i32 to index
        %parallel_loop3A_543 = arith.index_cast %parallel_loop3A_450 : i32 to index
        %parallel_loop3A_544 = tpu.vector_load %arg7[%parallel_loop3A_542, %parallel_loop3A_543] {strides = array<i32>} : memref<8x4096xf32, #tpu.memory_space<vmem>>, vector<1x16xf32>,
        %parallel_loop3A_545 = vector.shape_cast %parallel_loop3A_544 : vector<1x16xf32> to vector<16xf32>
        %parallel_loop3A_546 = vector.shape_cast %parallel_loop3A_540 : vector<16xf32> to vector<1x16xf32>
        tpu.vector_store %arg7[%parallel_loop3A_542, %parallel_loop3A_543], %parallel_loop3A_546 {strides = array<i32>} : memref<8x4096xf32, #tpu.memory_space<vmem>>, vector<1x16xf32>,
      } {sc.loop_unroll_factor = 2 : i64, sc.parallel_access}
      %add3A_431 = arith.addi %mul3A_2, %add3A_390 : i32
      %mul3A_432 = arith.constant 8 : i32
      %mul3A_433 = arith.muli %add3A_431, %mul3A_432 : i32
      %dma_start3A_434 = arith.constant 0 : i32
      %dma_start3A_435 = tpu.memref_slice %arg4[%mul3A_433, %dma_start3A_434] : memref<12800x4096xf32, #tpu.memory_space<hbm>> -> memref<8x4096xf32, #tpu.memory_space<hbm>>
      %dma_start3A_436 = arith.constant 0 : i32
      %dma_start3A_437 = tpu.memref_slice %arg4[%mul3A_433, %dma_start3A_436] : memref<12800x4096xf32, #tpu.memory_space<hbm>> -> memref<8x4096xf32, #tpu.memory_space<hbm>>
      tpu.enqueue_dma source(%arg7 : memref<8x4096xf32, #tpu.memory_space<vmem>>) target(%dma_start3A_437 : memref<8x4096xf32, #tpu.memory_space<hbm>>) target_semaphore(%arg16 : memref<!tpu.dma_semaphore, #tpu.memory_space<semaphore_mem>>)
      %ge3A_438 = arith.constant 1 : i32
      %ge3A_439 = arith.cmpi sge, %add3A_390, %ge3A_438 : i32
      %add3A_440 = arith.constant 2 : i32
      %add3A_441 = arith.addi %add3A_390, %add3A_440 : i32
      %lt3A_442 = arith.constant 50 : i32
      %lt3A_443 = arith.cmpi slt, %add3A_441, %lt3A_442 : i32
      %and3A_444 = arith.andi %ge3A_439, %lt3A_443 : i1
      %convert_element_type3A_445 = arith.extui %and3A_444 : i1 to i32
      %cond3A_446 = arith.constant 0 : i32
      %cond3A_447 = arith.cmpi ne, %convert_element_type3A_445, %cond3A_446 : i32
      scf.if %cond3A_447 {
        %dma_wait3A_448 = arith.constant 0 : i32
        %dma_wait3A_449 = arith.constant 0 : i32
        %dma_wait3A_450 = tpu.memref_slice %arg4[%dma_wait3A_448, %dma_wait3A_449] : memref<12800x4096xf32, #tpu.memory_space<hbm>> -> memref<8x4096xf32, #tpu.memory_space<hbm>>
        %dma_wait3A_451 = arith.constant 0 : i32
        %dma_wait3A_452 = arith.constant 0 : i32
        %dma_wait3A_453 = tpu.memref_slice %arg4[%dma_wait3A_451, %dma_wait3A_452] : memref<12800x4096xf32, #tpu.memory_space<hbm>> -> memref<8x4096xf32, #tpu.memory_space<hbm>>
        tpu.wait_dma2 semaphore(%arg15 : memref<!tpu.dma_semaphore, #tpu.memory_space<semaphore_mem>>) src(%arg6 : memref<8x4096xf32, #tpu.memory_space<vmem>>) dst(%dma_wait3A_453 : memref<8x4096xf32, #tpu.memory_space<hbm>>)
        %add3A_454 = arith.constant 2 : i32
        %add3A_455 = arith.addi %add3A_390, %add3A_454 : i32
        %add3A_456 = arith.addi %mul3A_2, %add3A_455 : i32
        %jit3A_457 = arith.constant 8 : i32
        %div3A_458 = arith.divsi %add3A_456, %jit3A_457 : i32
        %sign3A_459 = arith.constant 0 : i32
        %sign3A_460 = arith.cmpi sgt, %add3A_456, %sign3A_459 : i32
        %sign3A_461 = arith.extui %sign3A_460 : i1 to i32
        %sign3A_462 = arith.constant 0 : i32
        %sign3A_463 = arith.cmpi slt, %add3A_456, %sign3A_462 : i32
        %sign3A_464 = arith.extui %sign3A_463 : i1 to i32
        %sign3A_465 = arith.subi %sign3A_461, %sign3A_464 : i32
        %sign3A_466 = arith.constant 0 : i32
        %sign3A_467 = arith.cmpi sgt, %jit3A_457, %sign3A_466 : i32
        %sign3A_468 = arith.extui %sign3A_467 : i1 to i32
        %sign3A_469 = arith.constant 0 : i32
        %sign3A_470 = arith.cmpi slt, %jit3A_457, %sign3A_469 : i32
        %sign3A_471 = arith.extui %sign3A_470 : i1 to i32
        %sign3A_472 = arith.subi %sign3A_468, %sign3A_471 : i32
        %ne3A_473 = arith.cmpi ne, %sign3A_465, %sign3A_472 : i32
        %rem3A_474 = arith.remsi %add3A_456, %jit3A_457 : i32
        %ne3A_475 = arith.constant 0 : i32
        %ne3A_476 = arith.cmpi ne, %rem3A_474, %ne3A_475 : i32
        %and3A_477 = arith.andi %ne3A_473, %ne3A_476 : i1
        %sub3A_478 = arith.constant 1 : i32
        %sub3A_479 = arith.subi %div3A_458, %sub3A_478 : i32
        %select_n3A_480 = arith.select %and3A_477, %sub3A_479, %div3A_458 : i32
        %mul3A_481 = arith.constant 8 : i32
        %mul3A_482 = arith.muli %select_n3A_480, %mul3A_481 : i32
        %sub3A_483 = arith.subi %add3A_456, %mul3A_482 : i32
        %sub3A_484 = arith.constant 199 : i32
        %sub3A_485 = arith.subi %sub3A_484, %select_n3A_480 : i32
        %mul3A_486 = arith.constant 8 : i32
        %mul3A_487 = arith.muli %sub3A_485, %mul3A_486 : i32
        %add3A_488 = arith.addi %mul3A_487, %sub3A_483 : i32
        %dma_start3A_489 = arith.constant 0 : i32
        %dma_start3A_490 = tpu.memref_slice %arg3[%add3A_488, %dma_start3A_489] : memref<1600x128xf32, #tpu.memory_space<hbm>> -> memref<1x128xf32, #tpu.memory_space<hbm>>
        %dma_start3A_491 = tpu.memref_squeeze %dma_start3A_490 : memref<1x128xf32, #tpu.memory_space<hbm>> -> memref<128xf32, #tpu.memory_space<hbm>>
        %dma_start3A_492 = arith.constant 0 : i32
        %dma_start3A_493 = tpu.memref_slice %arg3[%add3A_488, %dma_start3A_492] : memref<1600x128xf32, #tpu.memory_space<hbm>> -> memref<1x128xf32, #tpu.memory_space<hbm>>
        %dma_start3A_494 = tpu.memref_squeeze %dma_start3A_493 : memref<1x128xf32, #tpu.memory_space<hbm>> -> memref<128xf32, #tpu.memory_space<hbm>>
        tpu.enqueue_dma source(%dma_start3A_494 : memref<128xf32, #tpu.memory_space<hbm>>) target(%arg9 : memref<128xf32, #tpu.memory_space<vmem>>) target_semaphore(%arg12 : memref<!tpu.dma_semaphore, #tpu.memory_space<semaphore_mem>>)
        %mul3A_495 = arith.constant 8 : i32
        %mul3A_496 = arith.muli %add3A_456, %mul3A_495 : i32
        %dma_start3A_497 = arith.constant 0 : i32
        %dma_start3A_498 = tpu.memref_slice %arg2[%mul3A_496, %dma_start3A_497] : memref<12800x4096xf32, #tpu.memory_space<hbm>> -> memref<8x4096xf32, #tpu.memory_space<hbm>>
        %dma_start3A_499 = arith.constant 0 : i32
        %dma_start3A_500 = tpu.memref_slice %arg2[%mul3A_496, %dma_start3A_499] : memref<12800x4096xf32, #tpu.memory_space<hbm>> -> memref<8x4096xf32, #tpu.memory_space<hbm>>
        tpu.enqueue_dma source(%dma_start3A_500 : memref<8x4096xf32, #tpu.memory_space<hbm>>) target(%arg6 : memref<8x4096xf32, #tpu.memory_space<vmem>>) target_semaphore(%arg12 : memref<!tpu.dma_semaphore, #tpu.memory_space<semaphore_mem>>)
      } else {
      }
    }
    %scan3A_136 = arith.constant 16 : i32
    %dma_wait3A = arith.constant 0 : i32
    %dma_wait3A_137 = arith.constant 0 : i32
    %dma_wait3A_138 = tpu.memref_slice %arg3[%dma_wait3A, %dma_wait3A_137] : memref<1600x128xf32, #tpu.memory_space<hbm>> -> memref<1x128xf32, #tpu.memory_space<hbm>>
    %dma_wait3A_139 = tpu.memref_squeeze %dma_wait3A_138 : memref<1x128xf32, #tpu.memory_space<hbm>> -> memref<128xf32, #tpu.memory_space<hbm>>
    %dma_wait3A_140 = arith.constant 0 : i32
    %dma_wait3A_141 = tpu.memref_slice %arg3[%dma_wait3A, %dma_wait3A_140] : memref<1600x128xf32, #tpu.memory_space<hbm>> -> memref<1x128xf32, #tpu.memory_space<hbm>>
    %dma_wait3A_142 = tpu.memref_squeeze %dma_wait3A_141 : memref<1x128xf32, #tpu.memory_space<hbm>> -> memref<128xf32, #tpu.memory_space<hbm>>
    tpu.wait_dma2 semaphore(%arg11 : memref<!tpu.dma_semaphore, #tpu.memory_space<semaphore_mem>>) src(%dma_wait3A_142 : memref<128xf32, #tpu.memory_space<hbm>>) dst(%arg8 : memref<128xf32, #tpu.memory_space<vmem>>)
    %dma_wait3A_143 = arith.constant 0 : i32
    %dma_wait3A_144 = arith.constant 0 : i32
    %dma_wait3A_145 = tpu.memref_slice %arg2[%dma_wait3A_143, %dma_wait3A_144] : memref<12800x4096xf32, #tpu.memory_space<hbm>> -> memref<8x4096xf32, #tpu.memory_space<hbm>>
    %dma_wait3A_146 = arith.constant 0 : i32
    %dma_wait3A_147 = arith.constant 0 : i32
    %dma_wait3A_148 = tpu.memref_slice %arg2[%dma_wait3A_146, %dma_wait3A_147] : memref<12800x4096xf32, #tpu.memory_space<hbm>> -> memref<8x4096xf32, #tpu.memory_space<hbm>>
    tpu.wait_dma2 semaphore(%arg11 : memref<!tpu.dma_semaphore, #tpu.memory_space<semaphore_mem>>) src(%dma_wait3A_148 : memref<8x4096xf32, #tpu.memory_space<hbm>>) dst(%arg5 : memref<8x4096xf32, #tpu.memory_space<vmem>>)
    %get3A = arith.constant 0 : index
    %get3A_149 = tpu.vector_load %arg8[%get3A] {strides = array<i32>} : memref<128xf32, #tpu.memory_space<vmem>>, vector<16xf32>,
    %get3A_150 = vector.shape_cast %get3A_149 : vector<16xf32> to vector<16xf32>
    %get3A_151 = arith.constant 16 : index
    %get3A_152 = tpu.vector_load %arg8[%get3A_151] {strides = array<i32>} : memref<128xf32, #tpu.memory_space<vmem>>, vector<16xf32>,
    %get3A_153 = vector.shape_cast %get3A_152 : vector<16xf32> to vector<16xf32>
    %get3A_154 = arith.constant 32 : index
    %get3A_155 = tpu.vector_load %arg8[%get3A_154] {strides = array<i32>} : memref<128xf32, #tpu.memory_space<vmem>>, vector<16xf32>,
    %get3A_156 = vector.shape_cast %get3A_155 : vector<16xf32> to vector<16xf32>
    %get3A_157 = arith.constant 48 : index
    %get3A_158 = tpu.vector_load %arg8[%get3A_157] {strides = array<i32>} : memref<128xf32, #tpu.memory_space<vmem>>, vector<16xf32>,
    %get3A_159 = vector.shape_cast %get3A_158 : vector<16xf32> to vector<16xf32>
    %get3A_160 = arith.constant 64 : index
    %get3A_161 = tpu.vector_load %arg8[%get3A_160] {strides = array<i32>} : memref<128xf32, #tpu.memory_space<vmem>>, vector<16xf32>,
    %get3A_162 = vector.shape_cast %get3A_161 : vector<16xf32> to vector<16xf32>
    %get3A_163 = arith.constant 80 : index
    %get3A_164 = tpu.vector_load %arg8[%get3A_163] {strides = array<i32>} : memref<128xf32, #tpu.memory_space<vmem>>, vector<16xf32>,
    %get3A_165 = vector.shape_cast %get3A_164 : vector<16xf32> to vector<16xf32>
    %get3A_166 = arith.constant 96 : index
    %get3A_167 = tpu.vector_load %arg8[%get3A_166] {strides = array<i32>} : memref<128xf32, #tpu.memory_space<vmem>>, vector<16xf32>,
    %get3A_168 = vector.shape_cast %get3A_167 : vector<16xf32> to vector<16xf32>
    %get3A_169 = arith.constant 112 : index
    %get3A_170 = tpu.vector_load %arg8[%get3A_169] {strides = array<i32>} : memref<128xf32, #tpu.memory_space<vmem>>, vector<16xf32>,
    %get3A_171 = vector.shape_cast %get3A_170 : vector<16xf32> to vector<16xf32>
    %parallel_loop3A = arith.constant 0 : i32
    %parallel_loop3A_172 = arith.constant 256 : i32
    %parallel_loop3A_173 = arith.constant 1 : i32
    scf.for %parallel_loop3A_270 = %parallel_loop3A to %parallel_loop3A_172 step %parallel_loop3A_173  : i32 {
      %parallel_loop3A_271 = arith.constant 16 : i32
      %parallel_loop3A_272 = arith.muli %parallel_loop3A_270, %parallel_loop3A_271 : i32
      %parallel_loop3A_273 = arith.constant 0 : i32
      %parallel_loop3A_274 = arith.index_cast %parallel_loop3A_273 : i32 to index
      %parallel_loop3A_275 = arith.index_cast %parallel_loop3A_272 : i32 to index
      %parallel_loop3A_276 = tpu.vector_load %arg5[%parallel_loop3A_274, %parallel_loop3A_275] {strides = array<i32>} : memref<8x4096xf32, #tpu.memory_space<vmem>>, vector<1x16xf32>,
      %parallel_loop3A_277 = vector.shape_cast %parallel_loop3A_276 : vector<1x16xf32> to vector<16xf32>
      %parallel_loop3A_278 = arith.addf %parallel_loop3A_277, %get3A_150 : vector<16xf32>
      %parallel_loop3A_279 = arith.constant 0 : i32
      %parallel_loop3A_280 = arith.index_cast %parallel_loop3A_279 : i32 to index
      %parallel_loop3A_281 = arith.index_cast %parallel_loop3A_272 : i32 to index
      %parallel_loop3A_282 = tpu.vector_load %arg5[%parallel_loop3A_280, %parallel_loop3A_281] {strides = array<i32>} : memref<8x4096xf32, #tpu.memory_space<vmem>>, vector<1x16xf32>,
      %parallel_loop3A_283 = vector.shape_cast %parallel_loop3A_282 : vector<1x16xf32> to vector<16xf32>
      %parallel_loop3A_284 = vector.shape_cast %parallel_loop3A_278 : vector<16xf32> to vector<1x16xf32>
      tpu.vector_store %arg5[%parallel_loop3A_280, %parallel_loop3A_281], %parallel_loop3A_284 {strides = array<i32>} : memref<8x4096xf32, #tpu.memory_space<vmem>>, vector<1x16xf32>,
      %parallel_loop3A_285 = arith.constant 1 : i32
      %parallel_loop3A_286 = arith.index_cast %parallel_loop3A_285 : i32 to index
      %parallel_loop3A_287 = arith.index_cast %parallel_loop3A_272 : i32 to index
      %parallel_loop3A_288 = tpu.vector_load %arg5[%parallel_loop3A_286, %parallel_loop3A_287] {strides = array<i32>} : memref<8x4096xf32, #tpu.memory_space<vmem>>, vector<1x16xf32>,
      %parallel_loop3A_289 = vector.shape_cast %parallel_loop3A_288 : vector<1x16xf32> to vector<16xf32>
      %parallel_loop3A_290 = arith.addf %parallel_loop3A_289, %get3A_153 : vector<16xf32>
      %parallel_loop3A_291 = arith.constant 1 : i32
      %parallel_loop3A_292 = arith.index_cast %parallel_loop3A_291 : i32 to index
      %parallel_loop3A_293 = arith.index_cast %parallel_loop3A_272 : i32 to index
      %parallel_loop3A_294 = tpu.vector_load %arg5[%parallel_loop3A_292, %parallel_loop3A_293] {strides = array<i32>} : memref<8x4096xf32, #tpu.memory_space<vmem>>, vector<1x16xf32>,
      %parallel_loop3A_295 = vector.shape_cast %parallel_loop3A_294 : vector<1x16xf32> to vector<16xf32>
      %parallel_loop3A_296 = vector.shape_cast %parallel_loop3A_290 : vector<16xf32> to vector<1x16xf32>
      tpu.vector_store %arg5[%parallel_loop3A_292, %parallel_loop3A_293], %parallel_loop3A_296 {strides = array<i32>} : memref<8x4096xf32, #tpu.memory_space<vmem>>, vector<1x16xf32>,
      %parallel_loop3A_297 = arith.constant 2 : i32
      %parallel_loop3A_298 = arith.index_cast %parallel_loop3A_297 : i32 to index
      %parallel_loop3A_299 = arith.index_cast %parallel_loop3A_272 : i32 to index
      %parallel_loop3A_300 = tpu.vector_load %arg5[%parallel_loop3A_298, %parallel_loop3A_299] {strides = array<i32>} : memref<8x4096xf32, #tpu.memory_space<vmem>>, vector<1x16xf32>,
      %parallel_loop3A_301 = vector.shape_cast %parallel_loop3A_300 : vector<1x16xf32> to vector<16xf32>
      %parallel_loop3A_302 = arith.addf %parallel_loop3A_301, %get3A_156 : vector<16xf32>
      %parallel_loop3A_303 = arith.constant 2 : i32
      %parallel_loop3A_304 = arith.index_cast %parallel_loop3A_303 : i32 to index
      %parallel_loop3A_305 = arith.index_cast %parallel_loop3A_272 : i32 to index
      %parallel_loop3A_306 = tpu.vector_load %arg5[%parallel_loop3A_304, %parallel_loop3A_305] {strides = array<i32>} : memref<8x4096xf32, #tpu.memory_space<vmem>>, vector<1x16xf32>,
      %parallel_loop3A_307 = vector.shape_cast %parallel_loop3A_306 : vector<1x16xf32> to vector<16xf32>
      %parallel_loop3A_308 = vector.shape_cast %parallel_loop3A_302 : vector<16xf32> to vector<1x16xf32>
      tpu.vector_store %arg5[%parallel_loop3A_304, %parallel_loop3A_305], %parallel_loop3A_308 {strides = array<i32>} : memref<8x4096xf32, #tpu.memory_space<vmem>>, vector<1x16xf32>,
      %parallel_loop3A_309 = arith.constant 3 : i32
      %parallel_loop3A_310 = arith.index_cast %parallel_loop3A_309 : i32 to index
      %parallel_loop3A_311 = arith.index_cast %parallel_loop3A_272 : i32 to index
      %parallel_loop3A_312 = tpu.vector_load %arg5[%parallel_loop3A_310, %parallel_loop3A_311] {strides = array<i32>} : memref<8x4096xf32, #tpu.memory_space<vmem>>, vector<1x16xf32>,
      %parallel_loop3A_313 = vector.shape_cast %parallel_loop3A_312 : vector<1x16xf32> to vector<16xf32>
      %parallel_loop3A_314 = arith.addf %parallel_loop3A_313, %get3A_159 : vector<16xf32>
      %parallel_loop3A_315 = arith.constant 3 : i32
      %parallel_loop3A_316 = arith.index_cast %parallel_loop3A_315 : i32 to index
      %parallel_loop3A_317 = arith.index_cast %parallel_loop3A_272 : i32 to index
      %parallel_loop3A_318 = tpu.vector_load %arg5[%parallel_loop3A_316, %parallel_loop3A_317] {strides = array<i32>} : memref<8x4096xf32, #tpu.memory_space<vmem>>, vector<1x16xf32>,
      %parallel_loop3A_319 = vector.shape_cast %parallel_loop3A_318 : vector<1x16xf32> to vector<16xf32>
      %parallel_loop3A_320 = vector.shape_cast %parallel_loop3A_314 : vector<16xf32> to vector<1x16xf32>
      tpu.vector_store %arg5[%parallel_loop3A_316, %parallel_loop3A_317], %parallel_loop3A_320 {strides = array<i32>} : memref<8x4096xf32, #tpu.memory_space<vmem>>, vector<1x16xf32>,
      %parallel_loop3A_321 = arith.constant 4 : i32
      %parallel_loop3A_322 = arith.index_cast %parallel_loop3A_321 : i32 to index
      %parallel_loop3A_323 = arith.index_cast %parallel_loop3A_272 : i32 to index
      %parallel_loop3A_324 = tpu.vector_load %arg5[%parallel_loop3A_322, %parallel_loop3A_323] {strides = array<i32>} : memref<8x4096xf32, #tpu.memory_space<vmem>>, vector<1x16xf32>,
      %parallel_loop3A_325 = vector.shape_cast %parallel_loop3A_324 : vector<1x16xf32> to vector<16xf32>
      %parallel_loop3A_326 = arith.addf %parallel_loop3A_325, %get3A_162 : vector<16xf32>
      %parallel_loop3A_327 = arith.constant 4 : i32
      %parallel_loop3A_328 = arith.index_cast %parallel_loop3A_327 : i32 to index
      %parallel_loop3A_329 = arith.index_cast %parallel_loop3A_272 : i32 to index
      %parallel_loop3A_330 = tpu.vector_load %arg5[%parallel_loop3A_328, %parallel_loop3A_329] {strides = array<i32>} : memref<8x4096xf32, #tpu.memory_space<vmem>>, vector<1x16xf32>,
      %parallel_loop3A_331 = vector.shape_cast %parallel_loop3A_330 : vector<1x16xf32> to vector<16xf32>
      %parallel_loop3A_332 = vector.shape_cast %parallel_loop3A_326 : vector<16xf32> to vector<1x16xf32>
      tpu.vector_store %arg5[%parallel_loop3A_328, %parallel_loop3A_329], %parallel_loop3A_332 {strides = array<i32>} : memref<8x4096xf32, #tpu.memory_space<vmem>>, vector<1x16xf32>,
      %parallel_loop3A_333 = arith.constant 5 : i32
      %parallel_loop3A_334 = arith.index_cast %parallel_loop3A_333 : i32 to index
      %parallel_loop3A_335 = arith.index_cast %parallel_loop3A_272 : i32 to index
      %parallel_loop3A_336 = tpu.vector_load %arg5[%parallel_loop3A_334, %parallel_loop3A_335] {strides = array<i32>} : memref<8x4096xf32, #tpu.memory_space<vmem>>, vector<1x16xf32>,
      %parallel_loop3A_337 = vector.shape_cast %parallel_loop3A_336 : vector<1x16xf32> to vector<16xf32>
      %parallel_loop3A_338 = arith.addf %parallel_loop3A_337, %get3A_165 : vector<16xf32>
      %parallel_loop3A_339 = arith.constant 5 : i32
      %parallel_loop3A_340 = arith.index_cast %parallel_loop3A_339 : i32 to index
      %parallel_loop3A_341 = arith.index_cast %parallel_loop3A_272 : i32 to index
      %parallel_loop3A_342 = tpu.vector_load %arg5[%parallel_loop3A_340, %parallel_loop3A_341] {strides = array<i32>} : memref<8x4096xf32, #tpu.memory_space<vmem>>, vector<1x16xf32>,
      %parallel_loop3A_343 = vector.shape_cast %parallel_loop3A_342 : vector<1x16xf32> to vector<16xf32>
      %parallel_loop3A_344 = vector.shape_cast %parallel_loop3A_338 : vector<16xf32> to vector<1x16xf32>
      tpu.vector_store %arg5[%parallel_loop3A_340, %parallel_loop3A_341], %parallel_loop3A_344 {strides = array<i32>} : memref<8x4096xf32, #tpu.memory_space<vmem>>, vector<1x16xf32>,
      %parallel_loop3A_345 = arith.constant 6 : i32
      %parallel_loop3A_346 = arith.index_cast %parallel_loop3A_345 : i32 to index
      %parallel_loop3A_347 = arith.index_cast %parallel_loop3A_272 : i32 to index
      %parallel_loop3A_348 = tpu.vector_load %arg5[%parallel_loop3A_346, %parallel_loop3A_347] {strides = array<i32>} : memref<8x4096xf32, #tpu.memory_space<vmem>>, vector<1x16xf32>,
      %parallel_loop3A_349 = vector.shape_cast %parallel_loop3A_348 : vector<1x16xf32> to vector<16xf32>
      %parallel_loop3A_350 = arith.addf %parallel_loop3A_349, %get3A_168 : vector<16xf32>
      %parallel_loop3A_351 = arith.constant 6 : i32
      %parallel_loop3A_352 = arith.index_cast %parallel_loop3A_351 : i32 to index
      %parallel_loop3A_353 = arith.index_cast %parallel_loop3A_272 : i32 to index
      %parallel_loop3A_354 = tpu.vector_load %arg5[%parallel_loop3A_352, %parallel_loop3A_353] {strides = array<i32>} : memref<8x4096xf32, #tpu.memory_space<vmem>>, vector<1x16xf32>,
      %parallel_loop3A_355 = vector.shape_cast %parallel_loop3A_354 : vector<1x16xf32> to vector<16xf32>
      %parallel_loop3A_356 = vector.shape_cast %parallel_loop3A_350 : vector<16xf32> to vector<1x16xf32>
      tpu.vector_store %arg5[%parallel_loop3A_352, %parallel_loop3A_353], %parallel_loop3A_356 {strides = array<i32>} : memref<8x4096xf32, #tpu.memory_space<vmem>>, vector<1x16xf32>,
      %parallel_loop3A_357 = arith.constant 7 : i32
      %parallel_loop3A_358 = arith.index_cast %parallel_loop3A_357 : i32 to index
      %parallel_loop3A_359 = arith.index_cast %parallel_loop3A_272 : i32 to index
      %parallel_loop3A_360 = tpu.vector_load %arg5[%parallel_loop3A_358, %parallel_loop3A_359] {strides = array<i32>} : memref<8x4096xf32, #tpu.memory_space<vmem>>, vector<1x16xf32>,
      %parallel_loop3A_361 = vector.shape_cast %parallel_loop3A_360 : vector<1x16xf32> to vector<16xf32>
      %parallel_loop3A_362 = arith.addf %parallel_loop3A_361, %get3A_171 : vector<16xf32>
      %parallel_loop3A_363 = arith.constant 7 : i32
      %parallel_loop3A_364 = arith.index_cast %parallel_loop3A_363 : i32 to index
      %parallel_loop3A_365 = arith.index_cast %parallel_loop3A_272 : i32 to index
      %parallel_loop3A_366 = tpu.vector_load %arg5[%parallel_loop3A_364, %parallel_loop3A_365] {strides = array<i32>} : memref<8x4096xf32, #tpu.memory_space<vmem>>, vector<1x16xf32>,
      %parallel_loop3A_367 = vector.shape_cast %parallel_loop3A_366 : vector<1x16xf32> to vector<16xf32>
      %parallel_loop3A_368 = vector.shape_cast %parallel_loop3A_362 : vector<16xf32> to vector<1x16xf32>
      tpu.vector_store %arg5[%parallel_loop3A_364, %parallel_loop3A_365], %parallel_loop3A_368 {strides = array<i32>} : memref<8x4096xf32, #tpu.memory_space<vmem>>, vector<1x16xf32>,
    } {sc.loop_unroll_factor = 2 : i64, sc.parallel_access}
    %add3A_174 = arith.constant 48 : i32
    %add3A_175 = arith.addi %mul3A_2, %add3A_174 : i32
    %mul3A_176 = arith.constant 8 : i32
    %mul3A_177 = arith.muli %add3A_175, %mul3A_176 : i32
    %dma_start3A_178 = arith.constant 0 : i32
    %dma_start3A_179 = tpu.memref_slice %arg4[%mul3A_177, %dma_start3A_178] : memref<12800x4096xf32, #tpu.memory_space<hbm>> -> memref<8x4096xf32, #tpu.memory_space<hbm>>
    %dma_start3A_180 = arith.constant 0 : i32
    %dma_start3A_181 = tpu.memref_slice %arg4[%mul3A_177, %dma_start3A_180] : memref<12800x4096xf32, #tpu.memory_space<hbm>> -> memref<8x4096xf32, #tpu.memory_space<hbm>>
    tpu.enqueue_dma source(%arg5 : memref<8x4096xf32, #tpu.memory_space<vmem>>) target(%dma_start3A_181 : memref<8x4096xf32, #tpu.memory_space<hbm>>) target_semaphore(%arg14 : memref<!tpu.dma_semaphore, #tpu.memory_space<semaphore_mem>>)
    %ge3A = arith.constant 48 : i32
    %ge3A_182 = arith.constant 1 : i32
    %ge3A_183 = arith.cmpi sge, %ge3A, %ge3A_182 : i32
    %add3A_184 = arith.constant 48 : i32
    %add3A_185 = arith.constant 2 : i32
    %add3A_186 = arith.addi %add3A_184, %add3A_185 : i32
    %lt3A = arith.constant 50 : i32
    %lt3A_187 = arith.cmpi slt, %add3A_186, %lt3A : i32
    %and3A_188 = arith.andi %ge3A_183, %lt3A_187 : i1
    %convert_element_type3A = arith.extui %and3A_188 : i1 to i32
    %cond3A = arith.constant 48 : i32
    %cond3A_189 = arith.constant 0 : i32
    %cond3A_190 = arith.cmpi ne, %convert_element_type3A, %cond3A_189 : i32
    scf.if %cond3A_190 {
      %dma_wait3A_270 = arith.constant 0 : i32
      %dma_wait3A_271 = arith.constant 0 : i32
      %dma_wait3A_272 = tpu.memref_slice %arg4[%dma_wait3A_270, %dma_wait3A_271] : memref<12800x4096xf32, #tpu.memory_space<hbm>> -> memref<8x4096xf32, #tpu.memory_space<hbm>>
      %dma_wait3A_273 = arith.constant 0 : i32
      %dma_wait3A_274 = arith.constant 0 : i32
      %dma_wait3A_275 = tpu.memref_slice %arg4[%dma_wait3A_273, %dma_wait3A_274] : memref<12800x4096xf32, #tpu.memory_space<hbm>> -> memref<8x4096xf32, #tpu.memory_space<hbm>>
      tpu.wait_dma2 semaphore(%arg16 : memref<!tpu.dma_semaphore, #tpu.memory_space<semaphore_mem>>) src(%arg7 : memref<8x4096xf32, #tpu.memory_space<vmem>>) dst(%dma_wait3A_275 : memref<8x4096xf32, #tpu.memory_space<hbm>>)
      %add3A_276 = arith.constant 2 : i32
      %add3A_277 = arith.addi %cond3A, %add3A_276 : i32
      %add3A_278 = arith.addi %mul3A_2, %add3A_277 : i32
      %jit3A_279 = arith.constant 8 : i32
      %div3A_280 = arith.divsi %add3A_278, %jit3A_279 : i32
      %sign3A_281 = arith.constant 0 : i32
      %sign3A_282 = arith.cmpi sgt, %add3A_278, %sign3A_281 : i32
      %sign3A_283 = arith.extui %sign3A_282 : i1 to i32
      %sign3A_284 = arith.constant 0 : i32
      %sign3A_285 = arith.cmpi slt, %add3A_278, %sign3A_284 : i32
      %sign3A_286 = arith.extui %sign3A_285 : i1 to i32
      %sign3A_287 = arith.subi %sign3A_283, %sign3A_286 : i32
      %sign3A_288 = arith.constant 0 : i32
      %sign3A_289 = arith.cmpi sgt, %jit3A_279, %sign3A_288 : i32
      %sign3A_290 = arith.extui %sign3A_289 : i1 to i32
      %sign3A_291 = arith.constant 0 : i32
      %sign3A_292 = arith.cmpi slt, %jit3A_279, %sign3A_291 : i32
      %sign3A_293 = arith.extui %sign3A_292 : i1 to i32
      %sign3A_294 = arith.subi %sign3A_290, %sign3A_293 : i32
      %ne3A_295 = arith.cmpi ne, %sign3A_287, %sign3A_294 : i32
      %rem3A_296 = arith.remsi %add3A_278, %jit3A_279 : i32
      %ne3A_297 = arith.constant 0 : i32
      %ne3A_298 = arith.cmpi ne, %rem3A_296, %ne3A_297 : i32
      %and3A_299 = arith.andi %ne3A_295, %ne3A_298 : i1
      %sub3A_300 = arith.constant 1 : i32
      %sub3A_301 = arith.subi %div3A_280, %sub3A_300 : i32
      %select_n3A_302 = arith.select %and3A_299, %sub3A_301, %div3A_280 : i32
      %mul3A_303 = arith.constant 8 : i32
      %mul3A_304 = arith.muli %select_n3A_302, %mul3A_303 : i32
      %sub3A_305 = arith.subi %add3A_278, %mul3A_304 : i32
      %sub3A_306 = arith.constant 199 : i32
      %sub3A_307 = arith.subi %sub3A_306, %select_n3A_302 : i32
      %mul3A_308 = arith.constant 8 : i32
      %mul3A_309 = arith.muli %sub3A_307, %mul3A_308 : i32
      %add3A_310 = arith.addi %mul3A_309, %sub3A_305 : i32
      %dma_start3A_311 = arith.constant 0 : i32
      %dma_start3A_312 = tpu.memref_slice %arg3[%add3A_310, %dma_start3A_311] : memref<1600x128xf32, #tpu.memory_space<hbm>> -> memref<1x128xf32, #tpu.memory_space<hbm>>
      %dma_start3A_313 = tpu.memref_squeeze %dma_start3A_312 : memref<1x128xf32, #tpu.memory_space<hbm>> -> memref<128xf32, #tpu.memory_space<hbm>>
      %dma_start3A_314 = arith.constant 0 : i32
      %dma_start3A_315 = tpu.memref_slice %arg3[%add3A_310, %dma_start3A_314] : memref<1600x128xf32, #tpu.memory_space<hbm>> -> memref<1x128xf32, #tpu.memory_space<hbm>>
      %dma_start3A_316 = tpu.memref_squeeze %dma_start3A_315 : memref<1x128xf32, #tpu.memory_space<hbm>> -> memref<128xf32, #tpu.memory_space<hbm>>
      tpu.enqueue_dma source(%dma_start3A_316 : memref<128xf32, #tpu.memory_space<hbm>>) target(%arg10 : memref<128xf32, #tpu.memory_space<vmem>>) target_semaphore(%arg13 : memref<!tpu.dma_semaphore, #tpu.memory_space<semaphore_mem>>)
      %mul3A_317 = arith.constant 8 : i32
      %mul3A_318 = arith.muli %add3A_278, %mul3A_317 : i32
      %dma_start3A_319 = arith.constant 0 : i32
      %dma_start3A_320 = tpu.memref_slice %arg2[%mul3A_318, %dma_start3A_319] : memref<12800x4096xf32, #tpu.memory_space<hbm>> -> memref<8x4096xf32, #tpu.memory_space<hbm>>
      %dma_start3A_321 = arith.constant 0 : i32
      %dma_start3A_322 = tpu.memref_slice %arg2[%mul3A_318, %dma_start3A_321] : memref<12800x4096xf32, #tpu.memory_space<hbm>> -> memref<8x4096xf32, #tpu.memory_space<hbm>>
      tpu.enqueue_dma source(%dma_start3A_322 : memref<8x4096xf32, #tpu.memory_space<hbm>>) target(%arg7 : memref<8x4096xf32, #tpu.memory_space<vmem>>) target_semaphore(%arg13 : memref<!tpu.dma_semaphore, #tpu.memory_space<semaphore_mem>>)
    } else {
    }
    %dma_wait3A_191 = arith.constant 0 : i32
    %dma_wait3A_192 = arith.constant 0 : i32
    %dma_wait3A_193 = tpu.memref_slice %arg3[%dma_wait3A_191, %dma_wait3A_192] : memref<1600x128xf32, #tpu.memory_space<hbm>> -> memref<1x128xf32, #tpu.memory_space<hbm>>
    %dma_wait3A_194 = tpu.memref_squeeze %dma_wait3A_193 : memref<1x128xf32, #tpu.memory_space<hbm>> -> memref<128xf32, #tpu.memory_space<hbm>>
    %dma_wait3A_195 = arith.constant 0 : i32
    %dma_wait3A_196 = tpu.memref_slice %arg3[%dma_wait3A_191, %dma_wait3A_195] : memref<1600x128xf32, #tpu.memory_space<hbm>> -> memref<1x128xf32, #tpu.memory_space<hbm>>
    %dma_wait3A_197 = tpu.memref_squeeze %dma_wait3A_196 : memref<1x128xf32, #tpu.memory_space<hbm>> -> memref<128xf32, #tpu.memory_space<hbm>>
    tpu.wait_dma2 semaphore(%arg12 : memref<!tpu.dma_semaphore, #tpu.memory_space<semaphore_mem>>) src(%dma_wait3A_197 : memref<128xf32, #tpu.memory_space<hbm>>) dst(%arg9 : memref<128xf32, #tpu.memory_space<vmem>>)
    %dma_wait3A_198 = arith.constant 0 : i32
    %dma_wait3A_199 = arith.constant 0 : i32
    %dma_wait3A_200 = tpu.memref_slice %arg2[%dma_wait3A_198, %dma_wait3A_199] : memref<12800x4096xf32, #tpu.memory_space<hbm>> -> memref<8x4096xf32, #tpu.memory_space<hbm>>
    %dma_wait3A_201 = arith.constant 0 : i32
    %dma_wait3A_202 = arith.constant 0 : i32
    %dma_wait3A_203 = tpu.memref_slice %arg2[%dma_wait3A_201, %dma_wait3A_202] : memref<12800x4096xf32, #tpu.memory_space<hbm>> -> memref<8x4096xf32, #tpu.memory_space<hbm>>
    tpu.wait_dma2 semaphore(%arg12 : memref<!tpu.dma_semaphore, #tpu.memory_space<semaphore_mem>>) src(%dma_wait3A_203 : memref<8x4096xf32, #tpu.memory_space<hbm>>) dst(%arg6 : memref<8x4096xf32, #tpu.memory_space<vmem>>)
    %get3A_204 = arith.constant 0 : index
    %get3A_205 = tpu.vector_load %arg9[%get3A_204] {strides = array<i32>} : memref<128xf32, #tpu.memory_space<vmem>>, vector<16xf32>,
    %get3A_206 = vector.shape_cast %get3A_205 : vector<16xf32> to vector<16xf32>
    %get3A_207 = arith.constant 16 : index
    %get3A_208 = tpu.vector_load %arg9[%get3A_207] {strides = array<i32>} : memref<128xf32, #tpu.memory_space<vmem>>, vector<16xf32>,
    %get3A_209 = vector.shape_cast %get3A_208 : vector<16xf32> to vector<16xf32>
    %get3A_210 = arith.constant 32 : index
    %get3A_211 = tpu.vector_load %arg9[%get3A_210] {strides = array<i32>} : memref<128xf32, #tpu.memory_space<vmem>>, vector<16xf32>,
    %get3A_212 = vector.shape_cast %get3A_211 : vector<16xf32> to vector<16xf32>
    %get3A_213 = arith.constant 48 : index
    %get3A_214 = tpu.vector_load %arg9[%get3A_213] {strides = array<i32>} : memref<128xf32, #tpu.memory_space<vmem>>, vector<16xf32>,
    %get3A_215 = vector.shape_cast %get3A_214 : vector<16xf32> to vector<16xf32>
    %get3A_216 = arith.constant 64 : index
    %get3A_217 = tpu.vector_load %arg9[%get3A_216] {strides = array<i32>} : memref<128xf32, #tpu.memory_space<vmem>>, vector<16xf32>,
    %get3A_218 = vector.shape_cast %get3A_217 : vector<16xf32> to vector<16xf32>
    %get3A_219 = arith.constant 80 : index
    %get3A_220 = tpu.vector_load %arg9[%get3A_219] {strides = array<i32>} : memref<128xf32, #tpu.memory_space<vmem>>, vector<16xf32>,
    %get3A_221 = vector.shape_cast %get3A_220 : vector<16xf32> to vector<16xf32>
    %get3A_222 = arith.constant 96 : index
    %get3A_223 = tpu.vector_load %arg9[%get3A_222] {strides = array<i32>} : memref<128xf32, #tpu.memory_space<vmem>>, vector<16xf32>,
    %get3A_224 = vector.shape_cast %get3A_223 : vector<16xf32> to vector<16xf32>
    %get3A_225 = arith.constant 112 : index
    %get3A_226 = tpu.vector_load %arg9[%get3A_225] {strides = array<i32>} : memref<128xf32, #tpu.memory_space<vmem>>, vector<16xf32>,
    %get3A_227 = vector.shape_cast %get3A_226 : vector<16xf32> to vector<16xf32>
    %parallel_loop3A_228 = arith.constant 0 : i32
    %parallel_loop3A_229 = arith.constant 256 : i32
    %parallel_loop3A_230 = arith.constant 1 : i32
    scf.for %parallel_loop3A_270 = %parallel_loop3A_228 to %parallel_loop3A_229 step %parallel_loop3A_230  : i32 {
      %parallel_loop3A_271 = arith.constant 16 : i32
      %parallel_loop3A_272 = arith.muli %parallel_loop3A_270, %parallel_loop3A_271 : i32
      %parallel_loop3A_273 = arith.constant 0 : i32
      %parallel_loop3A_274 = arith.index_cast %parallel_loop3A_273 : i32 to index
      %parallel_loop3A_275 = arith.index_cast %parallel_loop3A_272 : i32 to index
      %parallel_loop3A_276 = tpu.vector_load %arg6[%parallel_loop3A_274, %parallel_loop3A_275] {strides = array<i32>} : memref<8x4096xf32, #tpu.memory_space<vmem>>, vector<1x16xf32>,
      %parallel_loop3A_277 = vector.shape_cast %parallel_loop3A_276 : vector<1x16xf32> to vector<16xf32>
      %parallel_loop3A_278 = arith.addf %parallel_loop3A_277, %get3A_206 : vector<16xf32>
      %parallel_loop3A_279 = arith.constant 0 : i32
      %parallel_loop3A_280 = arith.index_cast %parallel_loop3A_279 : i32 to index
      %parallel_loop3A_281 = arith.index_cast %parallel_loop3A_272 : i32 to index
      %parallel_loop3A_282 = tpu.vector_load %arg6[%parallel_loop3A_280, %parallel_loop3A_281] {strides = array<i32>} : memref<8x4096xf32, #tpu.memory_space<vmem>>, vector<1x16xf32>,
      %parallel_loop3A_283 = vector.shape_cast %parallel_loop3A_282 : vector<1x16xf32> to vector<16xf32>
      %parallel_loop3A_284 = vector.shape_cast %parallel_loop3A_278 : vector<16xf32> to vector<1x16xf32>
      tpu.vector_store %arg6[%parallel_loop3A_280, %parallel_loop3A_281], %parallel_loop3A_284 {strides = array<i32>} : memref<8x4096xf32, #tpu.memory_space<vmem>>, vector<1x16xf32>,
      %parallel_loop3A_285 = arith.constant 1 : i32
      %parallel_loop3A_286 = arith.index_cast %parallel_loop3A_285 : i32 to index
      %parallel_loop3A_287 = arith.index_cast %parallel_loop3A_272 : i32 to index
      %parallel_loop3A_288 = tpu.vector_load %arg6[%parallel_loop3A_286, %parallel_loop3A_287] {strides = array<i32>} : memref<8x4096xf32, #tpu.memory_space<vmem>>, vector<1x16xf32>,
      %parallel_loop3A_289 = vector.shape_cast %parallel_loop3A_288 : vector<1x16xf32> to vector<16xf32>
      %parallel_loop3A_290 = arith.addf %parallel_loop3A_289, %get3A_209 : vector<16xf32>
      %parallel_loop3A_291 = arith.constant 1 : i32
      %parallel_loop3A_292 = arith.index_cast %parallel_loop3A_291 : i32 to index
      %parallel_loop3A_293 = arith.index_cast %parallel_loop3A_272 : i32 to index
      %parallel_loop3A_294 = tpu.vector_load %arg6[%parallel_loop3A_292, %parallel_loop3A_293] {strides = array<i32>} : memref<8x4096xf32, #tpu.memory_space<vmem>>, vector<1x16xf32>,
      %parallel_loop3A_295 = vector.shape_cast %parallel_loop3A_294 : vector<1x16xf32> to vector<16xf32>
      %parallel_loop3A_296 = vector.shape_cast %parallel_loop3A_290 : vector<16xf32> to vector<1x16xf32>
      tpu.vector_store %arg6[%parallel_loop3A_292, %parallel_loop3A_293], %parallel_loop3A_296 {strides = array<i32>} : memref<8x4096xf32, #tpu.memory_space<vmem>>, vector<1x16xf32>,
      %parallel_loop3A_297 = arith.constant 2 : i32
      %parallel_loop3A_298 = arith.index_cast %parallel_loop3A_297 : i32 to index
      %parallel_loop3A_299 = arith.index_cast %parallel_loop3A_272 : i32 to index
      %parallel_loop3A_300 = tpu.vector_load %arg6[%parallel_loop3A_298, %parallel_loop3A_299] {strides = array<i32>} : memref<8x4096xf32, #tpu.memory_space<vmem>>, vector<1x16xf32>,
      %parallel_loop3A_301 = vector.shape_cast %parallel_loop3A_300 : vector<1x16xf32> to vector<16xf32>
      %parallel_loop3A_302 = arith.addf %parallel_loop3A_301, %get3A_212 : vector<16xf32>
      %parallel_loop3A_303 = arith.constant 2 : i32
      %parallel_loop3A_304 = arith.index_cast %parallel_loop3A_303 : i32 to index
      %parallel_loop3A_305 = arith.index_cast %parallel_loop3A_272 : i32 to index
      %parallel_loop3A_306 = tpu.vector_load %arg6[%parallel_loop3A_304, %parallel_loop3A_305] {strides = array<i32>} : memref<8x4096xf32, #tpu.memory_space<vmem>>, vector<1x16xf32>,
      %parallel_loop3A_307 = vector.shape_cast %parallel_loop3A_306 : vector<1x16xf32> to vector<16xf32>
      %parallel_loop3A_308 = vector.shape_cast %parallel_loop3A_302 : vector<16xf32> to vector<1x16xf32>
      tpu.vector_store %arg6[%parallel_loop3A_304, %parallel_loop3A_305], %parallel_loop3A_308 {strides = array<i32>} : memref<8x4096xf32, #tpu.memory_space<vmem>>, vector<1x16xf32>,
      %parallel_loop3A_309 = arith.constant 3 : i32
      %parallel_loop3A_310 = arith.index_cast %parallel_loop3A_309 : i32 to index
      %parallel_loop3A_311 = arith.index_cast %parallel_loop3A_272 : i32 to index
      %parallel_loop3A_312 = tpu.vector_load %arg6[%parallel_loop3A_310, %parallel_loop3A_311] {strides = array<i32>} : memref<8x4096xf32, #tpu.memory_space<vmem>>, vector<1x16xf32>,
      %parallel_loop3A_313 = vector.shape_cast %parallel_loop3A_312 : vector<1x16xf32> to vector<16xf32>
      %parallel_loop3A_314 = arith.addf %parallel_loop3A_313, %get3A_215 : vector<16xf32>
      %parallel_loop3A_315 = arith.constant 3 : i32
      %parallel_loop3A_316 = arith.index_cast %parallel_loop3A_315 : i32 to index
      %parallel_loop3A_317 = arith.index_cast %parallel_loop3A_272 : i32 to index
      %parallel_loop3A_318 = tpu.vector_load %arg6[%parallel_loop3A_316, %parallel_loop3A_317] {strides = array<i32>} : memref<8x4096xf32, #tpu.memory_space<vmem>>, vector<1x16xf32>,
      %parallel_loop3A_319 = vector.shape_cast %parallel_loop3A_318 : vector<1x16xf32> to vector<16xf32>
      %parallel_loop3A_320 = vector.shape_cast %parallel_loop3A_314 : vector<16xf32> to vector<1x16xf32>
      tpu.vector_store %arg6[%parallel_loop3A_316, %parallel_loop3A_317], %parallel_loop3A_320 {strides = array<i32>} : memref<8x4096xf32, #tpu.memory_space<vmem>>, vector<1x16xf32>,
      %parallel_loop3A_321 = arith.constant 4 : i32
      %parallel_loop3A_322 = arith.index_cast %parallel_loop3A_321 : i32 to index
      %parallel_loop3A_323 = arith.index_cast %parallel_loop3A_272 : i32 to index
      %parallel_loop3A_324 = tpu.vector_load %arg6[%parallel_loop3A_322, %parallel_loop3A_323] {strides = array<i32>} : memref<8x4096xf32, #tpu.memory_space<vmem>>, vector<1x16xf32>,
      %parallel_loop3A_325 = vector.shape_cast %parallel_loop3A_324 : vector<1x16xf32> to vector<16xf32>
      %parallel_loop3A_326 = arith.addf %parallel_loop3A_325, %get3A_218 : vector<16xf32>
      %parallel_loop3A_327 = arith.constant 4 : i32
      %parallel_loop3A_328 = arith.index_cast %parallel_loop3A_327 : i32 to index
      %parallel_loop3A_329 = arith.index_cast %parallel_loop3A_272 : i32 to index
      %parallel_loop3A_330 = tpu.vector_load %arg6[%parallel_loop3A_328, %parallel_loop3A_329] {strides = array<i32>} : memref<8x4096xf32, #tpu.memory_space<vmem>>, vector<1x16xf32>,
      %parallel_loop3A_331 = vector.shape_cast %parallel_loop3A_330 : vector<1x16xf32> to vector<16xf32>
      %parallel_loop3A_332 = vector.shape_cast %parallel_loop3A_326 : vector<16xf32> to vector<1x16xf32>
      tpu.vector_store %arg6[%parallel_loop3A_328, %parallel_loop3A_329], %parallel_loop3A_332 {strides = array<i32>} : memref<8x4096xf32, #tpu.memory_space<vmem>>, vector<1x16xf32>,
      %parallel_loop3A_333 = arith.constant 5 : i32
      %parallel_loop3A_334 = arith.index_cast %parallel_loop3A_333 : i32 to index
      %parallel_loop3A_335 = arith.index_cast %parallel_loop3A_272 : i32 to index
      %parallel_loop3A_336 = tpu.vector_load %arg6[%parallel_loop3A_334, %parallel_loop3A_335] {strides = array<i32>} : memref<8x4096xf32, #tpu.memory_space<vmem>>, vector<1x16xf32>,
      %parallel_loop3A_337 = vector.shape_cast %parallel_loop3A_336 : vector<1x16xf32> to vector<16xf32>
      %parallel_loop3A_338 = arith.addf %parallel_loop3A_337, %get3A_221 : vector<16xf32>
      %parallel_loop3A_339 = arith.constant 5 : i32
      %parallel_loop3A_340 = arith.index_cast %parallel_loop3A_339 : i32 to index
      %parallel_loop3A_341 = arith.index_cast %parallel_loop3A_272 : i32 to index
      %parallel_loop3A_342 = tpu.vector_load %arg6[%parallel_loop3A_340, %parallel_loop3A_341] {strides = array<i32>} : memref<8x4096xf32, #tpu.memory_space<vmem>>, vector<1x16xf32>,
      %parallel_loop3A_343 = vector.shape_cast %parallel_loop3A_342 : vector<1x16xf32> to vector<16xf32>
      %parallel_loop3A_344 = vector.shape_cast %parallel_loop3A_338 : vector<16xf32> to vector<1x16xf32>
      tpu.vector_store %arg6[%parallel_loop3A_340, %parallel_loop3A_341], %parallel_loop3A_344 {strides = array<i32>} : memref<8x4096xf32, #tpu.memory_space<vmem>>, vector<1x16xf32>,
      %parallel_loop3A_345 = arith.constant 6 : i32
      %parallel_loop3A_346 = arith.index_cast %parallel_loop3A_345 : i32 to index
      %parallel_loop3A_347 = arith.index_cast %parallel_loop3A_272 : i32 to index
      %parallel_loop3A_348 = tpu.vector_load %arg6[%parallel_loop3A_346, %parallel_loop3A_347] {strides = array<i32>} : memref<8x4096xf32, #tpu.memory_space<vmem>>, vector<1x16xf32>,
      %parallel_loop3A_349 = vector.shape_cast %parallel_loop3A_348 : vector<1x16xf32> to vector<16xf32>
      %parallel_loop3A_350 = arith.addf %parallel_loop3A_349, %get3A_224 : vector<16xf32>
      %parallel_loop3A_351 = arith.constant 6 : i32
      %parallel_loop3A_352 = arith.index_cast %parallel_loop3A_351 : i32 to index
      %parallel_loop3A_353 = arith.index_cast %parallel_loop3A_272 : i32 to index
      %parallel_loop3A_354 = tpu.vector_load %arg6[%parallel_loop3A_352, %parallel_loop3A_353] {strides = array<i32>} : memref<8x4096xf32, #tpu.memory_space<vmem>>, vector<1x16xf32>,
      %parallel_loop3A_355 = vector.shape_cast %parallel_loop3A_354 : vector<1x16xf32> to vector<16xf32>
      %parallel_loop3A_356 = vector.shape_cast %parallel_loop3A_350 : vector<16xf32> to vector<1x16xf32>
      tpu.vector_store %arg6[%parallel_loop3A_352, %parallel_loop3A_353], %parallel_loop3A_356 {strides = array<i32>} : memref<8x4096xf32, #tpu.memory_space<vmem>>, vector<1x16xf32>,
      %parallel_loop3A_357 = arith.constant 7 : i32
      %parallel_loop3A_358 = arith.index_cast %parallel_loop3A_357 : i32 to index
      %parallel_loop3A_359 = arith.index_cast %parallel_loop3A_272 : i32 to index
      %parallel_loop3A_360 = tpu.vector_load %arg6[%parallel_loop3A_358, %parallel_loop3A_359] {strides = array<i32>} : memref<8x4096xf32, #tpu.memory_space<vmem>>, vector<1x16xf32>,
      %parallel_loop3A_361 = vector.shape_cast %parallel_loop3A_360 : vector<1x16xf32> to vector<16xf32>
      %parallel_loop3A_362 = arith.addf %parallel_loop3A_361, %get3A_227 : vector<16xf32>
      %parallel_loop3A_363 = arith.constant 7 : i32
      %parallel_loop3A_364 = arith.index_cast %parallel_loop3A_363 : i32 to index
      %parallel_loop3A_365 = arith.index_cast %parallel_loop3A_272 : i32 to index
      %parallel_loop3A_366 = tpu.vector_load %arg6[%parallel_loop3A_364, %parallel_loop3A_365] {strides = array<i32>} : memref<8x4096xf32, #tpu.memory_space<vmem>>, vector<1x16xf32>,
      %parallel_loop3A_367 = vector.shape_cast %parallel_loop3A_366 : vector<1x16xf32> to vector<16xf32>
      %parallel_loop3A_368 = vector.shape_cast %parallel_loop3A_362 : vector<16xf32> to vector<1x16xf32>
      tpu.vector_store %arg6[%parallel_loop3A_364, %parallel_loop3A_365], %parallel_loop3A_368 {strides = array<i32>} : memref<8x4096xf32, #tpu.memory_space<vmem>>, vector<1x16xf32>,
    } {sc.loop_unroll_factor = 2 : i64, sc.parallel_access}
    %add3A_231 = arith.constant 49 : i32
    %add3A_232 = arith.addi %mul3A_2, %add3A_231 : i32
    %mul3A_233 = arith.constant 8 : i32
    %mul3A_234 = arith.muli %add3A_232, %mul3A_233 : i32
    %dma_start3A_235 = arith.constant 0 : i32
    %dma_start3A_236 = tpu.memref_slice %arg4[%mul3A_234, %dma_start3A_235] : memref<12800x4096xf32, #tpu.memory_space<hbm>> -> memref<8x4096xf32, #tpu.memory_space<hbm>>
    %dma_start3A_237 = arith.constant 0 : i32
    %dma_start3A_238 = tpu.memref_slice %arg4[%mul3A_234, %dma_start3A_237] : memref<12800x4096xf32, #tpu.memory_space<hbm>> -> memref<8x4096xf32, #tpu.memory_space<hbm>>
    tpu.enqueue_dma source(%arg6 : memref<8x4096xf32, #tpu.memory_space<vmem>>) target(%dma_start3A_238 : memref<8x4096xf32, #tpu.memory_space<hbm>>) target_semaphore(%arg15 : memref<!tpu.dma_semaphore, #tpu.memory_space<semaphore_mem>>)
    %ge3A_239 = arith.constant 49 : i32
    %ge3A_240 = arith.constant 1 : i32
    %ge3A_241 = arith.cmpi sge, %ge3A_239, %ge3A_240 : i32
    %add3A_242 = arith.constant 49 : i32
    %add3A_243 = arith.constant 2 : i32
    %add3A_244 = arith.addi %add3A_242, %add3A_243 : i32
    %lt3A_245 = arith.constant 50 : i32
    %lt3A_246 = arith.cmpi slt, %add3A_244, %lt3A_245 : i32
    %and3A_247 = arith.andi %ge3A_241, %lt3A_246 : i1
    %convert_element_type3A_248 = arith.extui %and3A_247 : i1 to i32
    %cond3A_249 = arith.constant 49 : i32
    %cond3A_250 = arith.constant 0 : i32
    %cond3A_251 = arith.cmpi ne, %convert_element_type3A_248, %cond3A_250 : i32
    scf.if %cond3A_251 {
      %dma_wait3A_270 = arith.constant 0 : i32
      %dma_wait3A_271 = arith.constant 0 : i32
      %dma_wait3A_272 = tpu.memref_slice %arg4[%dma_wait3A_270, %dma_wait3A_271] : memref<12800x4096xf32, #tpu.memory_space<hbm>> -> memref<8x4096xf32, #tpu.memory_space<hbm>>
      %dma_wait3A_273 = arith.constant 0 : i32
      %dma_wait3A_274 = arith.constant 0 : i32
      %dma_wait3A_275 = tpu.memref_slice %arg4[%dma_wait3A_273, %dma_wait3A_274] : memref<12800x4096xf32, #tpu.memory_space<hbm>> -> memref<8x4096xf32, #tpu.memory_space<hbm>>
      tpu.wait_dma2 semaphore(%arg14 : memref<!tpu.dma_semaphore, #tpu.memory_space<semaphore_mem>>) src(%arg5 : memref<8x4096xf32, #tpu.memory_space<vmem>>) dst(%dma_wait3A_275 : memref<8x4096xf32, #tpu.memory_space<hbm>>)
      %add3A_276 = arith.constant 2 : i32
      %add3A_277 = arith.addi %cond3A_249, %add3A_276 : i32
      %add3A_278 = arith.addi %mul3A_2, %add3A_277 : i32
      %jit3A_279 = arith.constant 8 : i32
      %div3A_280 = arith.divsi %add3A_278, %jit3A_279 : i32
      %sign3A_281 = arith.constant 0 : i32
      %sign3A_282 = arith.cmpi sgt, %add3A_278, %sign3A_281 : i32
      %sign3A_283 = arith.extui %sign3A_282 : i1 to i32
      %sign3A_284 = arith.constant 0 : i32
      %sign3A_285 = arith.cmpi slt, %add3A_278, %sign3A_284 : i32
      %sign3A_286 = arith.extui %sign3A_285 : i1 to i32
      %sign3A_287 = arith.subi %sign3A_283, %sign3A_286 : i32
      %sign3A_288 = arith.constant 0 : i32
      %sign3A_289 = arith.cmpi sgt, %jit3A_279, %sign3A_288 : i32
      %sign3A_290 = arith.extui %sign3A_289 : i1 to i32
      %sign3A_291 = arith.constant 0 : i32
      %sign3A_292 = arith.cmpi slt, %jit3A_279, %sign3A_291 : i32
      %sign3A_293 = arith.extui %sign3A_292 : i1 to i32
      %sign3A_294 = arith.subi %sign3A_290, %sign3A_293 : i32
      %ne3A_295 = arith.cmpi ne, %sign3A_287, %sign3A_294 : i32
      %rem3A_296 = arith.remsi %add3A_278, %jit3A_279 : i32
      %ne3A_297 = arith.constant 0 : i32
      %ne3A_298 = arith.cmpi ne, %rem3A_296, %ne3A_297 : i32
      %and3A_299 = arith.andi %ne3A_295, %ne3A_298 : i1
      %sub3A_300 = arith.constant 1 : i32
      %sub3A_301 = arith.subi %div3A_280, %sub3A_300 : i32
      %select_n3A_302 = arith.select %and3A_299, %sub3A_301, %div3A_280 : i32
      %mul3A_303 = arith.constant 8 : i32
      %mul3A_304 = arith.muli %select_n3A_302, %mul3A_303 : i32
      %sub3A_305 = arith.subi %add3A_278, %mul3A_304 : i32
      %sub3A_306 = arith.constant 199 : i32
      %sub3A_307 = arith.subi %sub3A_306, %select_n3A_302 : i32
      %mul3A_308 = arith.constant 8 : i32
      %mul3A_309 = arith.muli %sub3A_307, %mul3A_308 : i32
      %add3A_310 = arith.addi %mul3A_309, %sub3A_305 : i32
      %dma_start3A_311 = arith.constant 0 : i32
      %dma_start3A_312 = tpu.memref_slice %arg3[%add3A_310, %dma_start3A_311] : memref<1600x128xf32, #tpu.memory_space<hbm>> -> memref<1x128xf32, #tpu.memory_space<hbm>>
      %dma_start3A_313 = tpu.memref_squeeze %dma_start3A_312 : memref<1x128xf32, #tpu.memory_space<hbm>> -> memref<128xf32, #tpu.memory_space<hbm>>
      %dma_start3A_314 = arith.constant 0 : i32
      %dma_start3A_315 = tpu.memref_slice %arg3[%add3A_310, %dma_start3A_314] : memref<1600x128xf32, #tpu.memory_space<hbm>> -> memref<1x128xf32, #tpu.memory_space<hbm>>
      %dma_start3A_316 = tpu.memref_squeeze %dma_start3A_315 : memref<1x128xf32, #tpu.memory_space<hbm>> -> memref<128xf32, #tpu.memory_space<hbm>>
      tpu.enqueue_dma source(%dma_start3A_316 : memref<128xf32, #tpu.memory_space<hbm>>) target(%arg8 : memref<128xf32, #tpu.memory_space<vmem>>) target_semaphore(%arg11 : memref<!tpu.dma_semaphore, #tpu.memory_space<semaphore_mem>>)
      %mul3A_317 = arith.constant 8 : i32
      %mul3A_318 = arith.muli %add3A_278, %mul3A_317 : i32
      %dma_start3A_319 = arith.constant 0 : i32
      %dma_start3A_320 = tpu.memref_slice %arg2[%mul3A_318, %dma_start3A_319] : memref<12800x4096xf32, #tpu.memory_space<hbm>> -> memref<8x4096xf32, #tpu.memory_space<hbm>>
      %dma_start3A_321 = arith.constant 0 : i32
      %dma_start3A_322 = tpu.memref_slice %arg2[%mul3A_318, %dma_start3A_321] : memref<12800x4096xf32, #tpu.memory_space<hbm>> -> memref<8x4096xf32, #tpu.memory_space<hbm>>
      tpu.enqueue_dma source(%dma_start3A_322 : memref<8x4096xf32, #tpu.memory_space<hbm>>) target(%arg5 : memref<8x4096xf32, #tpu.memory_space<vmem>>) target_semaphore(%arg11 : memref<!tpu.dma_semaphore, #tpu.memory_space<semaphore_mem>>)
    } else {
    }
    %dma_wait3A_252 = arith.constant 0 : i32
    %dma_wait3A_253 = arith.constant 0 : i32
    %dma_wait3A_254 = tpu.memref_slice %arg4[%dma_wait3A_252, %dma_wait3A_253] : memref<12800x4096xf32, #tpu.memory_space<hbm>> -> memref<8x4096xf32, #tpu.memory_space<hbm>>
    %dma_wait3A_255 = arith.constant 0 : i32
    %dma_wait3A_256 = arith.constant 0 : i32
    %dma_wait3A_257 = tpu.memref_slice %arg4[%dma_wait3A_255, %dma_wait3A_256] : memref<12800x4096xf32, #tpu.memory_space<hbm>> -> memref<8x4096xf32, #tpu.memory_space<hbm>>
    tpu.wait_dma2 semaphore(%arg16 : memref<!tpu.dma_semaphore, #tpu.memory_space<semaphore_mem>>) src(%arg7 : memref<8x4096xf32, #tpu.memory_space<vmem>>) dst(%dma_wait3A_257 : memref<8x4096xf32, #tpu.memory_space<hbm>>)
    %dma_wait3A_258 = arith.constant 0 : i32
    %dma_wait3A_259 = arith.constant 0 : i32
    %dma_wait3A_260 = tpu.memref_slice %arg4[%dma_wait3A_258, %dma_wait3A_259] : memref<12800x4096xf32, #tpu.memory_space<hbm>> -> memref<8x4096xf32, #tpu.memory_space<hbm>>
    %dma_wait3A_261 = arith.constant 0 : i32
    %dma_wait3A_262 = arith.constant 0 : i32
    %dma_wait3A_263 = tpu.memref_slice %arg4[%dma_wait3A_261, %dma_wait3A_262] : memref<12800x4096xf32, #tpu.memory_space<hbm>> -> memref<8x4096xf32, #tpu.memory_space<hbm>>
    tpu.wait_dma2 semaphore(%arg14 : memref<!tpu.dma_semaphore, #tpu.memory_space<semaphore_mem>>) src(%arg5 : memref<8x4096xf32, #tpu.memory_space<vmem>>) dst(%dma_wait3A_263 : memref<8x4096xf32, #tpu.memory_space<hbm>>)
    %dma_wait3A_264 = arith.constant 0 : i32
    %dma_wait3A_265 = arith.constant 0 : i32
    %dma_wait3A_266 = tpu.memref_slice %arg4[%dma_wait3A_264, %dma_wait3A_265] : memref<12800x4096xf32, #tpu.memory_space<hbm>> -> memref<8x4096xf32, #tpu.memory_space<hbm>>
    %dma_wait3A_267 = arith.constant 0 : i32
    %dma_wait3A_268 = arith.constant 0 : i32
    %dma_wait3A_269 = tpu.memref_slice %arg4[%dma_wait3A_267, %dma_wait3A_268] : memref<12800x4096xf32, #tpu.memory_space<hbm>> -> memref<8x4096xf32, #tpu.memory_space<hbm>>
    tpu.wait_dma2 semaphore(%arg15 : memref<!tpu.dma_semaphore, #tpu.memory_space<semaphore_mem>>) src(%arg6 : memref<8x4096xf32, #tpu.memory_space<vmem>>) dst(%dma_wait3A_269 : memref<8x4096xf32, #tpu.memory_space<hbm>>)
    return
  }
}

</mosaic_0001>

<sc_bundles>
// kernel: kernel.3.cloned.1.call-start
scs
__scs_entry_jumppad:
0x0: {  	(pc) =	sbr.rel $0x88, $3  }
0x1: {  	(tag) =	ssettag $0x0;
	lr =	simm.s32 $0x1  }
0x2: {  	[smem:$0x3F9F] =	sst lr;
	_ =	strace $0xD0000000  }
0x3: {  	_ = 	snop  }
0x4: {  	_ = 	snop  }
0x5: {  	_ = 	snop  }
0x6: {  	_ = 	snop  }
0x7: {  	_ = 	snop  }
__scs_overlays_trampoline_lowered:
0x8: {  	[smem:$0x3FAE] =	sst s0  }
0x9: {  	[smem:$0x3FAF] =	sst s1  }
0xa: {  	[smem:$0x3FB0] =	sst s2  }
0xb: {  	[smem:$0x3FB1] =	sst s3  }
0xc: {  	[smem:$0x3FB2] =	sst s4  }
0xd: {  	[smem:$0x3FB3] =	sst s5  }
0xe: {  	[smem:$0x3FB4] =	sst s6  }
0xf: {  	[smem:$0x3FB5] =	sst s7  }
0x10: {  	[smem:$0x3FB6] =	sst s8  }
0x11: {  	[smem:$0x3FB7] =	sst s9;
	s0 =	simm.s32 @!p0 $0x0  }
0x12: {  	s1 =	sld [smem:$0x3F9D];
	s0 =	simm.s32 @p0 $0x1  }
0x13: {  	[smem:$0x3FB8] =	sst s0;
	s0 =	simm.s32 @!p1 $0x0  }
0x14: {  	s2 =	sld [smem:$0x3F9C];
	s0 =	simm.s32 @p1 $0x1  }
0x15: {  	[smem:$0x3FB9] =	sst s0;
	s0 =	simm.s32 @!p2 $0x0  }
0x16: {  	s3 =	sld [smem:$0x3FDB];
	s0 =	simm.s32 @p2 $0x1  }
0x17: {  	s4 =	simm.s32 $0x1BF5;
	[smem:$0x3FBB] =	sst s0  }
0x18: {  	s0 =	sld [smem:$0x3F9E];
	_ =	swait.ge [sflag:s4], $0x0  }
0x19: {  	s7 =	sld [smem:$0x3F9F]  }
0x1a: {  	s8 =	sadd.s32 $0xFFFFE003, lr  }
0x1b: {  	s9 =	sadd.s32 $0xFFFFFEF7, lr;
	s5 =	simm.s32 $0xFFFFFFFF;
	p2 =	slt.u32 s8, $0xFFFFF086  }
0x1c: {  	p1 =	slt.u32 s9, $0xF7A;
	s5 =	simm.s32 @!p2 $0x0  }
0x1d: {  	s5 =	simm.s32 @p1 $0x1;
	p0 =	seq.s32 s7, s2  }
0x1e: {  	s7 =	smul.u32 @!p0 $0xF7A, s2;
	p2 =	seq.s32 @!p0 s5, $0x0  }
0x1f: {  	s9 =	smul.u32 $0xF7A, s1;
	s8 =	simm.s32 @!p0 $0x1BF5;
	p2 =	por !p2, p0  }
0x20: {  	[sflag:s8] =	ssyncset.s32 @!p0 $0xFFFFF086;
	s6 =	sadd.s32 @!p0 s3, s7;
	s7 =	simm.s32 @!p0 $0x108  }
0x21: {  	s3 =	sadd.s32 s3, s9;
	s6 =	sadd.s32 @!p0 $0x88, s6;
	s7 =	simm.s32 @p2 $0x1082  }
0x22: {  	[simem:s7], [sflag:s8] =	dma.local @!p0 [hbm:s6], $0xF7A  }
0x23: {  	s9 =	sor.u32 $0xD0000000, s2;
	s6 =	simm.s32 $0x108;
	_ =	swait.ge @!p0 [sflag:s8], $0x0  }
0x24: {  	s3 =	sadd.s32 $0x88, s3;
	s6 =	simm.s32 @!p1 $0x1082;
	[sflag:s4] =	ssyncset.s32 $0xFFFFF086  }
0x25: {  	[simem:s6], [sflag:s4] =	dma.local [hbm:s3], $0xF7A  }
0x26: {  	[smem:$0x3F9F] =	sst s1;
	(tag) =	ssettag s2;
	_ =	strace s9  }
0x27: {  	s1 =	sld [smem:$0x3FAF]  }
0x28: {  	s2 =	sld [smem:$0x3FB0]  }
0x29: {  	s4 =	sld [smem:$0x3FB2]  }
0x2a: {  	p0 =	seq.s32 s5, $0x0;
	s5 =	sld [smem:$0x3FB3]  }
0x2b: {  	s6 =	sld [smem:$0x3FB4]  }
0x2c: {  	s7 =	sld [smem:$0x3FB5]  }
0x2d: {  	s3 =	simm.s32 $0x108;
	s8 =	sld [smem:$0x3FB6]  }
0x2e: {  	s3 =	simm.s32 @!p0 $0x1082;
	s9 =	sld [smem:$0x3FB7]  }
0x2f: {  	lr =	sadd.s32 s0, s3;
	s0 =	sld [smem:$0x3FAE]  }
0x30: {  	s3 =	sld [smem:$0x3FB1]  }
0x31: {  	[smem:$0x3FBA] =	sst s10  }
0x32: {  	s10 =	sld [smem:$0x3FB8];
	_ =	sdelay $0x3  }
0x33: {  	p0 =	seq.s32 s10, $0x1;
	s10 =	sld [smem:$0x3FBA];
	_ =	sdelay $0x3  }
0x34: {  	[smem:$0x3FBA] =	sst s10  }
0x35: {  	s10 =	sld [smem:$0x3FB9];
	_ =	sdelay $0x3  }
0x36: {  	p1 =	seq.s32 s10, $0x1;
	s10 =	sld [smem:$0x3FBA];
	_ =	sdelay $0x3  }
0x37: {  	[smem:$0x3FBA] =	sst s10  }
0x38: {  	s10 =	sld [smem:$0x3FBB]  }
0x39: {  	_ = 	snop;
	(pc) =	sbr.ind lr, $3  }
0x3a: {  	_ = 	snop  }
0x3b: {  	_ = 	snop  }
0x3c: {  	p2 =	seq.s32 s10, $0x1;
	s10 =	sld [smem:$0x3FBA]  }
0x3d: {  	_ =	shalt  }
0x3e: {  	_ =	shalt  }
0x3f: {  	_ =	shalt  }
0x40: {  	_ =	shalt  }
0x41: {  	_ =	shalt  }
0x42: {  	_ =	shalt  }
0x43: {  	_ =	shalt  }
0x44: {  	_ =	shalt  }
0x45: {  	_ =	shalt  }
0x46: {  	_ =	shalt  }
0x47: {  	_ =	shalt  }
0x48: {  	_ =	shalt  }
0x49: {  	_ =	shalt  }
0x4a: {  	_ =	shalt  }
0x4b: {  	_ =	shalt  }
0x4c: {  	_ =	shalt  }
0x4d: {  	_ =	shalt  }
0x4e: {  	_ =	shalt  }
0x4f: {  	_ =	shalt  }
0x50: {  	_ =	shalt  }
0x51: {  	_ =	shalt  }
0x52: {  	_ =	shalt  }
0x53: {  	_ =	shalt  }
0x54: {  	_ =	shalt  }
0x55: {  	_ =	shalt  }
0x56: {  	_ =	shalt  }
0x57: {  	_ =	shalt  }
0x58: {  	_ =	shalt  }
0x59: {  	_ =	shalt  }
0x5a: {  	_ =	shalt  }
0x5b: {  	_ =	shalt  }
0x5c: {  	_ =	shalt  }
0x5d: {  	_ =	shalt  }
0x5e: {  	_ =	shalt  }
0x5f: {  	_ =	shalt  }
0x60: {  	_ =	shalt  }
0x61: {  	_ =	shalt  }
0x62: {  	_ =	shalt  }
0x63: {  	_ =	shalt  }
0x64: {  	_ =	shalt  }
0x65: {  	_ =	shalt  }
0x66: {  	_ =	shalt  }
0x67: {  	_ =	shalt  }
0x68: {  	_ =	shalt  }
0x69: {  	_ =	shalt  }
0x6a: {  	_ =	shalt  }
0x6b: {  	_ =	shalt  }
0x6c: {  	_ =	shalt  }
0x6d: {  	_ =	shalt  }
0x6e: {  	_ =	shalt  }
0x6f: {  	_ =	shalt  }
0x70: {  	_ =	shalt  }
0x71: {  	_ =	shalt  }
0x72: {  	_ =	shalt  }
0x73: {  	_ =	shalt  }
0x74: {  	_ =	shalt  }
0x75: {  	_ =	shalt  }
0x76: {  	_ =	shalt  }
0x77: {  	_ =	shalt  }
0x78: {  	_ =	shalt  }
0x79: {  	_ =	shalt  }
0x7a: {  	_ =	shalt  }
0x7b: {  	_ =	shalt  }
0x7c: {  	_ =	shalt  }
0x7d: {  	_ =	shalt  }
0x7e: {  	_ =	shalt  }
0x7f: {  	_ =	shalt  }
0x80: {  	_ =	shalt  }
0x81: {  	_ =	shalt  }
0x82: {  	_ =	shalt  }
0x83: {  	_ =	shalt  }
0x84: {  	_ =	shalt  }
0x85: {  	_ =	shalt  }
0x86: {  	_ =	shalt  }
0x87: {  	_ =	shalt  }
.Lfunc_end0:
.L_simem_size_0:
called_computation_lowered:
.L_overlay_start_0:
0x88: {  	s2 =	sld [smem:$0x3FD9]  }
0x89: {  	s3 =	sld [smem:$0x3FFE];
	_ =	sdelay $0x1  }
0x8a: {  	s1 =	srdreg.scid  }
0x8b: {  	s0 =	sand.u32 $0x1, s1  }
0x8c: {  	s17 =	sshll.u32 s0, $0xA;
	s2 =	sadd.s32 s3, s2  }
0x8d: {  	s2 =	sadd.s32 s2, s17  }
0x8e: {  	[smem:$0x3FC6] =	sst s2  }
0x8f: {  	_ = 	snop  }
0x90: {  	s2 =	sld [smem:$0x3FC9]  }
0x91: {  	s18 =	sld [smem:$0x3FD0];
	(tm) =	ssettm $0x1  }
0x92: {  	s4 =	sld [smem:$0x3FFB];
	_ =	sdelay $0x3  }
0x93: {  	_ =	strace s4  }
0x94: {  	s4 =	sld [smem:$0x3FFC];
	_ =	sdelay $0x3  }
0x95: {  	_ =	strace s4  }
0x96: {  	s4 =	sld [smem:$0x3FFD];
	_ =	sdelay $0x3  }
0x97: {  	_ =	strace s4  }
0x98: {  	_ =	strace $0x8FFFFFFF  }
0x99: {  	s19 =	sld [smem:$0x3FDB];
	_ =	sdelay $0x1  }
0x9a: {  	s5 =	simm.s32 $_scs_section_size  }
0x9b: {  	s6 =	simm.s32 $_size__tile_overlayer_lowered;
	s7 =	simm.s32 $_tile_overlayer_lowered  }
0x9c: {  	s22 =	simm.s32 $0x1BFF;
	s21 =	sshll.u32 s7, $0x1;
	s4 =	sadd.s32 s5, s19  }
0x9d: {  	s8 =	simm.s32 $0x0;
	s20 =	sshll.u32 s6, $0x1;
	s6 =	sadd.s32 s21, s4  }
0x9e: {  	[timem:s8], [sflag:s22] =	dma.local [hbm:s6], s20  }
0x9f: {  	_ =	swait.ge [sflag:s22], s20  }
0xa0: {  	s5 =	ssub.s32 $0x0, s20;
	[sflag:s22] =	ssyncset.done $0x0  }
0xa1: {  	[sflag:s22] =	ssyncadd.s32 s5;
	_ =	sdelay $0x1  }
0xa2: {  	s23 =	simm.s32 $0x1B8B  }
0xa3: {  	_ =	swait.ge [sflag:s23], $0x1  }
0xa4: {  	[sflag:s23] =	ssyncset.done $0x0  }
0xa5: {  	s25 =	simm.s32 $0x1B8E;
	s24 =	sld [smem:$0x3FFE];
	[sflag:s23] =	ssyncadd.s32 $0xFFFFFFFF  }
0xa6: {  	s26 =	simm.s32 $execute0_lowered;
	[smem:$0x3FD2] =	sst s25  }
0xa7: {  	s6 =	sshll.u32 s26, $0x1;
	_ =	strace $0x80000046;
	[dreg:$0x1] =	wrdreg $0xFFFFFFFF  }
0xa8: {  	s28 =	simm.s32 $_size_execute0_lowered;
	s4 =	sadd.s32 s4, s6;
	[dreg:$0x0] =	wrdreg $0x0  }
0xa9: {  	s6 =	sshll.u32 s28, $0x1;
	[dreg:$0x2] =	wrdreg s4  }
0xaa: {  	[dreg:$0x3] =	wrdreg s6  }
0xab: {  	[dreg:$0x4] =	wrdreg $0xC0  }
0xac: {  	_ =	task [dreg:s8], $0x5FFFF  }
0xad: {  	[dreg:$0x1] =	wrdreg $0xFFFFFFFF  }
0xae: {  	[dreg:$0x0] =	wrdreg $0x60  }
0xaf: {  	[dreg:$0x2] =	wrdreg s2  }
0xb0: {  	[dreg:$0x3] =	wrdreg s24  }
0xb1: {  	[dreg:$0x4] =	wrdreg s18  }
0xb2: {  	[dreg:$0x5] =	wrdreg $0x9  }
0xb3: {  	_ =	task.clear_ibuf [dreg:s8], $0x6FFFF;
	_ =	strace $0x90000046  }
0xb4: {  	s29 =	simm.s32 $0x9;
	_ =	strace $0x80000048  }
0xb5: {  	_ =	swait.ge [sflag:s29], $0x1  }
0xb6: {  	[sflag:s29] =	ssyncadd.s32 $0xFFFFFFFF  }
0xb7: {  	_ =	strace $0x90000048  }
0xb8: {  	_ =	sfence  }
0xb9: {  	s30 =	sld [smem:$0x0];
	_ =	sdelay $0x2  }
0xba: {  	s31 =	sshll.u32 s1, $0xD;
	s1 =	sshrl.u32 s1, $0x2  }
0xbb: {  	s3 =	sand.u32 $0x4000, s31;
	s1 =	sadd.s32 s1, s30  }
0xbc: {  	s0 =	sor.u32 s3, s0;
	s1 =	sshll.u32 s1, $0x11  }
0xbd: {  	s0 =	sor.u32 s1, s0  }
0xbe: {  	s0 =	sadd.s32 $0x8F2B, s0  }
0xbf: {  	[sflag:s0] =	ssyncadd.remote.s32 $0x1  }
0xc0: {  	_ =	sfence.sel $0xFFFF  }
0xc1: {  	[dreg:$0x0] =	wrdreg $0xFFFFFFFF;
	(pc) =	sbr.abs _section_cstart, $3  }
0xc2: {  	[dreg:$0x1] =	wrdreg $0xFFFFFFFF  }
0xc3: {  	_ =	task.clear_ibuf [dreg:s8], $0x2FFFF;
	_ =	strace $0x9FFFFFFF  }
0xc4: {  	(tm) =	ssettm $0x7FFFFFFF  }
0xc5: {  	_ =	shalt  }
tec
execute0_lowered:
.L_overlay_start_1:
0x0: {  	(tag) =	ssettag $0x1  }
0x1: {  	s1 =	rddreg [dreg:$0x0]  }
0x2: {  	s0 =	srdreg.scid;
	s6 =	rddreg [dreg:$0x1]  }
0x3: {  	s2 =	stileid.u32;
	s3 =	rddreg [dreg:$0x2]  }
0x4: {  	s4 =	simm.s32 $0x0;
	s0 =	sand.u32 $0x1, s0;
	s2 =	sshll.u32 s2, $0x1  }
0x5: {  	s28 =	simm.s32 $0x3;
	s29 =	simm.s32 $0x5;
	s2 =	sor.u32 s0, s2  }
0x6: {  	[smem:$0x7FF] =	sst s4;
	s6 =	sadd.s32 $0x400, s6;
	s5 =	smul.u32 $0x3200, s2  }
0x7: {  	_ =	strace $0x80000047;
	s0 =	ssub.s32 $0x2, s0;
	s7 =	smul.u32 $0x1900, s2  }
0x8: {  	s18 =	sshrl.u32 s0, $0x1;
	s9 =	sshll.u32 s2, $0x8;
	s13 =	smul.u32 $0x32000, s2  }
0x9: {  	s9 =	sand.u32 $0x300, s9;
	s0 =	ssub.s32 s0, s18;
	s5 =	sand.u32 $0x7F800, s5  }
0xa: {  	s23 =	sadd.s32 s1, s13;
	s0 =	smax.u32 s0, $0x1;
	s5 =	ssub.s32 s7, s5  }
0xb: {  	[dreg:$0x5] =	wrdreg s23;
	s8 =	sand.u32 $0xFFFFFC00, s5;
	s5 =	smul.u32 $0x32, s2  }
0xc: {  	[dreg:$0xc] =	wrdreg s0;
	s2 =	smul.u32 $0x190000, s2;
	s8 =	sadd.s32 $0x31C00, s8  }
0xd: {  	s19 =	sor.u32 s9, s8;
	s7 =	sor.u32 $0x1, s5;
	s10 =	sadd.s32 $0x2, s5  }
0xe: {  	s2 =	sshrl.u32 s2, $0x3;
	s14 =	sadd.s32 $0x3, s5;
	s15 =	sadd.s32 $0x4, s5  }
0xf: {  	s9 =	sshrl.u32 s19, $0x3;
	s20 =	sshll.u32 s7, $0x7;
	s11 =	sshll.u32 s10, $0x8  }
0x10: {  	s12 =	sshll.u32 s10, $0x7;
	s25 =	sshll.u32 s7, $0xC;
	s26 =	sshll.u32 s10, $0xC  }
0x11: {  	s2 =	sadd.s32 s3, s2;
	s9 =	sadd.s32 s6, s9;
	s11 =	sand.u32 $0xFF800, s11  }
0x12: {  	s22 =	sand.u32 $0x300, s12;
	s30 =	sadd.s32 s1, s26;
	s31 =	sadd.s32 $0x30000, s2  }
0x13: {  	s2 =	sadd.s32 $0x31000, s2;
	[dreg:$0x4] =	wrdreg s9;
	s9 =	sand.u32 $0x380, s20  }
0x14: {  	s21 =	ssub.s32 s12, s11;
	[dreg:$0x9] =	wrdreg s30;
	s8 =	sor.u32 s9, s8  }
0x15: {  	[dreg:$0xa] =	wrdreg s31;
	s9 =	sand.u32 $0xFFFFFC00, s21;
	s8 =	sshrl.u32 s8, $0x3  }
0x16: {  	[dreg:$0xb] =	wrdreg s2;
	s24 =	sor.u32 s22, s9;
	s8 =	sadd.s32 s6, s8  }
0x17: {  	s26 =	simm.s32 $0x4;
	[dreg:$0x6] =	wrdreg s8;
	s8 =	sadd.s32 $0x31C00, s24  }
0x18: {  	s2 =	simm.s32 $0x0;
	s9 =	sadd.s32 s1, s25;
	s8 =	sshrl.u32 s8, $0x3  }
0x19: {  	s21 =	simm.s32 $0x8000;
	[dreg:$0x7] =	wrdreg s9;
	s8 =	sadd.s32 s6, s8  }
0x1a: {  	s25 =	simm.s32 $0x2;
	s24 =	simm.s32 $0x1;
	[dreg:$0x8] =	wrdreg s8  }
.LBB2_1:
0x1b: {  	[dreg:$0xd] =	wrdreg s2  }
0x1c: {  	s0 =	rddreg [dreg:$0x4];
	s16 =	simm.s32 $0x18000  }
0x1d: {  	[tilespmem:s16], [sflag:$0x1] =	stream.linear.gather [hbm4b:s0+s4], $0x80, $0x38;
	[tilespmem:$0x18180] =	vst v63  }
0x1e: {  	s17 =	rddreg [dreg:$0x5]  }
0x1f: {  	[tilespmem:s4], [sflag:$0x1] =	stream.linear.gather [hbm4b:s17+s4], $0x8000, $0x38;
	[tilespmem:$0x18180] =	vst v63  }
0x20: {  	s18 =	rddreg [dreg:$0x6];
	s19 =	simm.s32 $0x18080  }
0x21: {  	[tilespmem:s19], [sflag:$0x2] =	stream.linear.gather [hbm4b:s18+s4], $0x80, $0x38;
	[tilespmem:$0x18180] =	vst v63  }
0x22: {  	s20 =	rddreg [dreg:$0x7]  }
0x23: {  	[tilespmem:s21], [sflag:$0x2] =	stream.linear.gather [hbm4b:s20+s4], $0x8000, $0x38;
	[tilespmem:$0x18180] =	vst v63  }
0x24: {  	s22 =	rddreg [dreg:$0x8];
	s23 =	simm.s32 $0x18100  }
0x25: {  	[tilespmem:s23], [sflag:$0x3] =	stream.linear.gather [hbm4b:s22+s4], $0x80, $0x38;
	[tilespmem:$0x18180] =	vst v63  }
0x26: {  	s30 =	rddreg [dreg:$0x9];
	s31 =	simm.s32 $0x10000;
	s2 =	simm.s32 $0x0  }
0x27: {  	[tilespmem:s31], [sflag:$0x3] =	stream.linear.gather [hbm4b:s30+s4], $0x8000, $0x38;
	[tilespmem:$0x18180] =	vst v63  }
.LBB2_2:
0x28: {  	_ =	swait.ge [sflag:s24], $0x80  }
0x29: {  	[sflag:s24] =	ssyncset.done $0x0  }
0x2a: {  	[sflag:s24] =	ssyncadd.s32 $0xFFFFFF80  }
0x2b: {  	_ =	swait.ge [sflag:s24], $0x8000  }
0x2c: {  	[sflag:s24] =	ssyncset.done $0x0  }
0x2d: {  	[sflag:s24] =	ssyncadd.s32 $0xFFFF8000  }
0x2e: {  	v6 =	vld [tilespmem:$0x18000]  }
0x2f: {  	v7 =	vld [tilespmem:$0x18010]  }
0x30: {  	v5 =	vld [tilespmem:$0x18020]  }
0x31: {  	s0 =	simm.s32 $0x0;
	v4 =	vld [tilespmem:$0x18030]  }
0x32: {  	s8 =	sand.u32 $0x60, s0;
	s9 =	sand.u32 $0x7C00, s0;
	v2 =	vld [tilespmem:$0x18040]  }
0x33: {  	s10 =	sor.u32 s8, s9;
	v3 =	vld [tilespmem:$0x18050]  }
0x34: {  	v0 =	vld [tilespmem:s10+$0x10]  }
0x35: {  	v8 =	vld [tilespmem:s10+$0x90]  }
0x36: {  	v9 =	vld [tilespmem:s10+$0x110]  }
0x37: {  	v10 =	vld [tilespmem:s10+$0x190]  }
0x38: {  	v11 =	vld [tilespmem:s10+$0x210]  }
0x39: {  	v13 =	vld [tilespmem:s10+$0x290];
	v12 =	vadd.f32 v0, v6  }
0x3a: {  	v1 =	vld [tilespmem:$0x18060];
	v8 =	vadd.f32 v8, v7  }
0x3b: {  	v0 =	vld [tilespmem:$0x18070];
	v9 =	vadd.f32 v9, v5;
	[tilespmem:s10+$0x10] =	vst v12  }
0x3c: {  	s0 =	sand.u32 $0x3, s0;
	v12 =	vld [tilespmem:s10+$0x0];
	[tilespmem:s10+$0x90] =	vst v8;
	v8 =	vadd.f32 v10, v4  }
0x3d: {  	s0 =	sshll.u32 s0, $0x5;
	v10 =	vld [tilespmem:s10+$0x80];
	[tilespmem:s10+$0x110] =	vst v9;
	v9 =	vadd.f32 v11, v2  }
0x3e: {  	s31 =	sadd.s32 $0x0, s0;
	v11 =	vld [tilespmem:s10+$0x100];
	[tilespmem:s10+$0x190] =	vst v8;
	v8 =	vadd.f32 v13, v3  }
0x3f: {  	s0 =	sadd.s32 $0x10, s31;
	v13 =	vld [tilespmem:s10+$0x180];
	[tilespmem:s10+$0x210] =	vst v9  }
0x40: {  	s16 =	simm.s32 $0x100;
	s12 =	simm.s32 $0x20;
	s11 =	sor.u32 $0x300, s0;
	v9 =	vld [tilespmem:s10+$0x200];
	[tilespmem:s10+$0x290] =	vst v8  }
0x41: {  	s12 =	sand.u32 $0x60, s12;
	s9 =	sand.u32 $0x7C00, s16;
	v8 =	vadd.f32 v12, v6;
	v12 =	vld [tilespmem:s11+$0x0]  }
0x42: {  	s9 =	sor.u32 s12, s9;
	v14 =	vld [tilespmem:s10+$0x280];
	v10 =	vadd.f32 v10, v7  }
0x43: {  	[tilespmem:s10+$0x0] =	vst v8;
	v8 =	vadd.f32 v11, v5;
	v11 =	vld [tilespmem:s9+$0x10]  }
0x44: {  	[tilespmem:s10+$0x80] =	vst v10;
	v10 =	vadd.f32 v13, v4;
	v13 =	vld [tilespmem:s9+$0x90]  }
0x45: {  	[tilespmem:s10+$0x100] =	vst v8;
	v8 =	vadd.f32 v9, v2;
	v9 =	vld [tilespmem:s9+$0x110]  }
0x46: {  	[tilespmem:s10+$0x180] =	vst v10;
	v10 =	vld [tilespmem:s9+$0x190];
	v12 =	vadd.f32 v12, v1  }
0x47: {  	v14 =	vadd.f32 v14, v3;
	[tilespmem:s10+$0x200] =	vst v8;
	v8 =	vld [tilespmem:s9+$0x210]  }
0x48: {  	s0 =	sor.u32 $0x380, s0;
	v15 =	vld [tilespmem:s9+$0x290];
	v11 =	vadd.f32 v11, v6;
	[tilespmem:s11+$0x0] =	vst v12  }
0x49: {  	[tilespmem:s10+$0x280] =	vst v14;
	v12 =	vadd.f32 v13, v7;
	v13 =	vld [tilespmem:s0+$0x0]  }
0x4a: {  	s17 =	simm.s32 $0x1;
	v14 =	vld [tilespmem:s9+$0x0];
	[tilespmem:s9+$0x10] =	vst v11;
	v9 =	vadd.f32 v9, v5  }
0x4b: {  	s10 =	sand.u32 $0x3, s17;
	v11 =	vld [tilespmem:s9+$0x80];
	[tilespmem:s9+$0x90] =	vst v12;
	v10 =	vadd.f32 v10, v4  }
0x4c: {  	s10 =	sshll.u32 s10, $0x5;
	v12 =	vld [tilespmem:s9+$0x100];
	[tilespmem:s9+$0x110] =	vst v9;
	v8 =	vadd.f32 v8, v2  }
0x4d: {  	s18 =	sadd.s32 $0x100, s10;
	v9 =	vld [tilespmem:s9+$0x180];
	[tilespmem:s9+$0x190] =	vst v10;
	v10 =	vadd.f32 v15, v3  }
0x4e: {  	s10 =	sadd.s32 $0x10, s18;
	v15 =	vld [tilespmem:s9+$0x200];
	[tilespmem:s9+$0x210] =	vst v8;
	v8 =	vadd.f32 v13, v0  }
0x4f: {  	s13 =	simm.s32 $0x200;
	s16 =	simm.s32 $0x40;
	s20 =	sor.u32 $0x300, s10;
	v13 =	vadd.f32 v14, v6;
	v14 =	vld [tilespmem:s9+$0x280];
	[tilespmem:s9+$0x290] =	vst v10  }
0x50: {  	s13 =	sand.u32 $0x7C00, s13;
	s22 =	sand.u32 $0x60, s16;
	s17 =	sor.u32 $0x300, s31;
	v10 =	vadd.f32 v11, v7;
	[tilespmem:s0+$0x0] =	vst v8;
	v8 =	vld [tilespmem:s20+$0x0]  }
0x51: {  	v11 =	vld [tilespmem:s17+$0x0];
	v12 =	vadd.f32 v12, v5;
	[tilespmem:s9+$0x0] =	vst v13;
	s0 =	sor.u32 s22, s13  }
0x52: {  	[tilespmem:s9+$0x80] =	vst v10;
	v9 =	vadd.f32 v9, v4;
	v10 =	vld [tilespmem:s0+$0x10]  }
0x53: {  	[tilespmem:s9+$0x100] =	vst v12;
	v12 =	vadd.f32 v15, v2;
	v13 =	vld [tilespmem:s0+$0x90]  }
0x54: {  	[tilespmem:s9+$0x180] =	vst v9;
	v9 =	vadd.f32 v14, v3;
	v14 =	vld [tilespmem:s0+$0x110]  }
0x55: {  	[tilespmem:s9+$0x200] =	vst v12;
	v12 =	vld [tilespmem:s0+$0x190];
	v8 =	vadd.f32 v8, v1  }
0x56: {  	v11 =	vadd.f32 v11, v1;
	[tilespmem:s9+$0x280] =	vst v9;
	v9 =	vld [tilespmem:s0+$0x210]  }
0x57: {  	s19 =	sor.u32 $0x380, s10;
	v15 =	vld [tilespmem:s0+$0x290];
	v10 =	vadd.f32 v10, v6;
	[tilespmem:s20+$0x0] =	vst v8  }
0x58: {  	[tilespmem:s17+$0x0] =	vst v11;
	v8 =	vadd.f32 v13, v7;
	v11 =	vld [tilespmem:s19+$0x0]  }
0x59: {  	s10 =	simm.s32 $0x2;
	v13 =	vld [tilespmem:s0+$0x0];
	[tilespmem:s0+$0x10] =	vst v10;
	v10 =	vadd.f32 v14, v5  }
0x5a: {  	s23 =	sand.u32 $0x3, s10;
	v14 =	vld [tilespmem:s0+$0x80];
	v12 =	vadd.f32 v12, v4;
	[tilespmem:s0+$0x90] =	vst v8  }
0x5b: {  	s12 =	sshll.u32 s23, $0x5;
	v8 =	vld [tilespmem:s0+$0x100];
	[tilespmem:s0+$0x110] =	vst v10;
	v16 =	vadd.f32 v9, v2  }
0x5c: {  	s8 =	sor.u32 $0x380, s31;
	s31 =	sadd.s32 $0x200, s12;
	v9 =	vld [tilespmem:s0+$0x180];
	[tilespmem:s0+$0x190] =	vst v12;
	v12 =	vadd.f32 v15, v3  }
0x5d: {  	s16 =	simm.s32 $0x60;
	s11 =	simm.s32 $0x4;
	s12 =	sor.u32 $0x380, s31;
	v10 =	vld [tilespmem:s0+$0x200];
	[tilespmem:s0+$0x210] =	vst v16;
	v15 =	vadd.f32 v11, v0  }
0x5e: {  	s22 =	sor.u32 $0x380, s18;
	s9 =	sor.u32 $0x300, s18;
	s18 =	sadd.s32 $0x10, s31;
	[tilespmem:s0+$0x290] =	vst v12;
	v13 =	vadd.f32 v13, v6;
	v11 =	vld [tilespmem:s0+$0x280]  }
0x5f: {  	s13 =	simm.s32 $0x300;
	s17 =	sor.u32 $0x300, s31;
	s30 =	sor.u32 $0x300, s18;
	v12 =	vld [tilespmem:s9+$0x0];
	v14 =	vadd.f32 v14, v7;
	[tilespmem:s19+$0x0] =	vst v15  }
.LBB2_3:
0x60: {  	s19 =	sand.u32 $0x60, s16;
	s31 =	sand.u32 $0x7C00, s13;
	[tilespmem:s0+$0x0] =	vst v13;
	v8 =	vadd.f32 v8, v5;
	v13 =	vld [tilespmem:s30+$0x0]  }
0x61: {  	s19 =	sor.u32 s19, s31;
	[tilespmem:s0+$0x80] =	vst v14;
	v9 =	vadd.f32 v9, v4;
	v14 =	vld [tilespmem:s8+$0x0]  }
0x62: {  	v15 =	vld [tilespmem:s19+$0x10];
	[tilespmem:s0+$0x100] =	vst v8;
	v8 =	vadd.f32 v10, v2  }
0x63: {  	v10 =	vld [tilespmem:s19+$0x90];
	[tilespmem:s0+$0x180] =	vst v9;
	v9 =	vadd.f32 v11, v3  }
0x64: {  	v11 =	vld [tilespmem:s19+$0x110];
	[tilespmem:s0+$0x200] =	vst v8;
	v8 =	vadd.f32 v12, v1  }
0x65: {  	v12 =	vld [tilespmem:s19+$0x190];
	[tilespmem:s0+$0x280] =	vst v9;
	v9 =	vadd.f32 v13, v1;
	s0 =	smov.u32 s19  }
0x66: {  	s11 =	sadd.s32 $0x2, s11;
	v13 =	vld [tilespmem:s0+$0x210];
	[tilespmem:s9+$0x0] =	vst v8;
	v8 =	vadd.f32 v14, v0;
	s9 =	smov.u32 s17  }
0x67: {  	p0 =	slt.u32 s11, $0xFE;
	s19 =	sor.u32 $0x380, s18;
	v14 =	vadd.f32 v15, v6;
	v15 =	vld [tilespmem:s0+$0x290];
	[tilespmem:s30+$0x0] =	vst v9  }
0x68: {  	v9 =	vadd.f32 v10, v7;
	v16 =	vld [tilespmem:s19+$0x0];
	[tilespmem:s8+$0x0] =	vst v8;
	s8 =	smov.u32 s22;
	s22 =	smov.u32 s12  }
0x69: {  	v17 =	vld [tilespmem:s0+$0x0];
	[tilespmem:s0+$0x10] =	vst v14;
	v10 =	vadd.f32 v11, v5  }
0x6a: {  	s10 =	sadd.s32 $0x1, s10;
	v14 =	vld [tilespmem:s0+$0x80];
	[tilespmem:s0+$0x90] =	vst v9;
	v11 =	vadd.f32 v12, v4  }
.Ltmp0:
0x6b: {  	s12 =	sand.u32 $0x3, s10;
	v8 =	vld [tilespmem:s0+$0x100];
	[tilespmem:s0+$0x110] =	vst v10;
	v12 =	vadd.f32 v13, v2;
	(pc) =	sbr.rel @p0 .LBB2_3-.Ltmp0, $4  }
0x6c: {  	s12 =	sshll.u32 s12, $0x5;
	v9 =	vld [tilespmem:s0+$0x180];
	[tilespmem:s0+$0x190] =	vst v11;
	v15 =	vadd.f32 v15, v3  }
0x6d: {  	s18 =	sadd.s32 s12, s13;
	v10 =	vld [tilespmem:s0+$0x200];
	[tilespmem:s0+$0x210] =	vst v12;
	v16 =	vadd.f32 v16, v0  }
0x6e: {  	s17 =	sor.u32 $0x300, s18;
	s12 =	sor.u32 $0x380, s18;
	s18 =	sadd.s32 $0x10, s18;
	v13 =	vadd.f32 v17, v6;
	v11 =	vld [tilespmem:s0+$0x280];
	[tilespmem:s0+$0x290] =	vst v15  }
0x6f: {  	s16 =	sadd.s32 $0x20, s16;
	s13 =	sadd.s32 $0x100, s13;
	s30 =	sor.u32 $0x300, s18;
	v14 =	vadd.f32 v14, v7;
	v12 =	vld [tilespmem:s9+$0x0];
	[tilespmem:s19+$0x0] =	vst v16  }
0x70: {  	[tilespmem:s0+$0x0] =	vst v13;
	v5 =	vadd.f32 v8, v5  }
0x71: {  	[tilespmem:s0+$0x80] =	vst v14;
	v4 =	vadd.f32 v9, v4  }
0x72: {  	[tilespmem:s0+$0x100] =	vst v5;
	v2 =	vadd.f32 v10, v2  }
0x73: {  	[tilespmem:s0+$0x180] =	vst v4;
	v3 =	vadd.f32 v11, v3  }
0x74: {  	v4 =	vld [tilespmem:s30+$0x0];
	[tilespmem:s0+$0x200] =	vst v2  }
0x75: {  	[tilespmem:s0+$0x280] =	vst v3  }
0x76: {  	v2 =	vld [tilespmem:s17+$0x0];
	_ =	sdelay $0x2  }
0x77: {  	v3 =	vadd.f32 v4, v1  }
0x78: {  	v4 =	vadd.f32 v12, v1  }
0x79: {  	s10 =	sor.u32 $0x380, s18;
	v5 =	vld [tilespmem:s8+$0x0];
	[tilespmem:s30+$0x0] =	vst v3;
	v1 =	vadd.f32 v2, v1  }
0x7a: {  	[tilespmem:s9+$0x0] =	vst v4;
	v2 =	vld [tilespmem:s10+$0x0]  }
0x7b: {  	v3 =	vld [tilespmem:s22+$0x0];
	[tilespmem:s17+$0x0] =	vst v1  }
0x7c: {  	v1 =	vld [tilespmem:s12+$0x0];
	_ =	sdelay $0x1  }
0x7d: {  	v4 =	vadd.f32 v5, v0  }
0x7e: {  	s0 =	smul.u32 $0x3, s2;
	v2 =	vadd.f32 v2, v0  }
0x7f: {  	[tilespmem:s8+$0x0] =	vst v4;
	v3 =	vadd.f32 v3, v0  }
0x80: {  	s17 =	sadd.s32 s5, s0;
	[tilespmem:s10+$0x0] =	vst v2;
	v0 =	vadd.f32 v1, v0  }
0x81: {  	s8 =	sshll.u32 s17, $0xC;
	[tilespmem:s22+$0x0] =	vst v3  }
0x82: {  	p0 =	seq.s32 s2, $0x0;
	s8 =	sadd.s32 s3, s8;
	s22 =	sadd.s32 $0x2, s0;
	[tilespmem:s12+$0x0] =	vst v0  }
0x83: {  	[hbm4b:s8+s4] =	stream.linear.scatter [tilespmem:s4], [sflag:$0x4], $0x8000, $0x38;
	[tilespmem:$0x18180] =	vst v63  }
0x84: {  	s8 =	sadd.s32 @!p0 s5, s22  }
0x85: {  	s9 =	sshll.u32 @!p0 s8, $0x8  }
0x86: {  	s10 =	sshll.u32 @!p0 s8, $0x7;
	s9 =	sand.u32 @!p0 $0x7FFFF800, s9  }
0x87: {  	s9 =	ssub.s32 @!p0 s10, s9  }
0x88: {  	s11 =	simm.s32 @!p0 $0x6;
	s10 =	sand.u32 @!p0 $0x380, s10;
	s9 =	sand.u32 @!p0 $0xFFFFFC00, s9  }
0x89: {  	_ =	swait.ge @!p0 [sflag:s11], $0x8000;
	s9 =	sor.u32 @!p0 s10, s9  }
0x8a: {  	s8 =	sshll.u32 @!p0 s8, $0xC;
	[sflag:s11] =	ssyncset.done @!p0 $0x0;
	s9 =	sadd.s32 @!p0 $0x31C00, s9  }
0x8b: {  	s8 =	sand.u32 @!p0 $0x1FFFF000, s8;
	[sflag:s11] =	ssyncadd.s32 @!p0 $0xFFFF8000;
	s9 =	sshrl.u32 @!p0 s9, $0x3  }
0x8c: {  	s11 =	simm.s32 @!p0 $0x18100;
	s10 =	simm.s32 @!p0 $0x0;
	s9 =	sadd.s32 @!p0 s6, s9  }
0x8d: {  	[tilespmem:s11], [sflag:$0x3] =	stream.linear.gather @!p0 [hbm4b:s9+s10], $0x80, $0x38;
	[tilespmem:$0x18180] =	vst v63  }
0x8e: {  	s8 =	sadd.s32 @!p0 s1, s8;
	s9 =	simm.s32 @!p0 $0x10000  }
0x8f: {  	[tilespmem:s9], [sflag:$0x3] =	stream.linear.gather @!p0 [hbm4b:s8+s10], $0x8000, $0x38;
	[tilespmem:$0x18180] =	vst v63  }
0x90: {  	_ =	swait.ge [sflag:s25], $0x80  }
0x91: {  	[sflag:s25] =	ssyncset.done $0x0  }
0x92: {  	[sflag:s25] =	ssyncadd.s32 $0xFFFFFF80  }
0x93: {  	_ =	swait.ge [sflag:s25], $0x8000  }
0x94: {  	[sflag:s25] =	ssyncset.done $0x0  }
0x95: {  	[sflag:s25] =	ssyncadd.s32 $0xFFFF8000  }
0x96: {  	v6 =	vld [tilespmem:$0x18080]  }
0x97: {  	v7 =	vld [tilespmem:$0x18090]  }
0x98: {  	v5 =	vld [tilespmem:$0x180A0]  }
0x99: {  	s18 =	simm.s32 $0x0;
	v4 =	vld [tilespmem:$0x180B0]  }
0x9a: {  	s19 =	sand.u32 $0x60, s18;
	s20 =	sand.u32 $0x7C00, s18;
	v2 =	vld [tilespmem:$0x180C0]  }
0x9b: {  	s23 =	sor.u32 s19, s20;
	v3 =	vld [tilespmem:$0x180D0]  }
0x9c: {  	v0 =	vld [tilespmem:s23+$0x8010]  }
0x9d: {  	v8 =	vld [tilespmem:s23+$0x8090]  }
0x9e: {  	v9 =	vld [tilespmem:s23+$0x8110]  }
0x9f: {  	v10 =	vld [tilespmem:s23+$0x8190]  }
0xa0: {  	v11 =	vld [tilespmem:s23+$0x8210]  }
0xa1: {  	v13 =	vld [tilespmem:s23+$0x8290];
	v12 =	vadd.f32 v0, v6  }
0xa2: {  	v1 =	vld [tilespmem:$0x180E0];
	v8 =	vadd.f32 v8, v7  }
0xa3: {  	v0 =	vld [tilespmem:$0x180F0];
	v9 =	vadd.f32 v9, v5;
	[tilespmem:s23+$0x8010] =	vst v12  }
0xa4: {  	s8 =	sand.u32 $0x3, s18;
	v12 =	vld [tilespmem:s23+$0x8000];
	[tilespmem:s23+$0x8090] =	vst v8;
	v8 =	vadd.f32 v10, v4  }
0xa5: {  	s8 =	sshll.u32 s8, $0x5;
	v10 =	vld [tilespmem:s23+$0x8080];
	[tilespmem:s23+$0x8110] =	vst v9;
	v9 =	vadd.f32 v11, v2  }
0xa6: {  	s9 =	sadd.s32 $0x0, s8;
	v11 =	vld [tilespmem:s23+$0x8100];
	[tilespmem:s23+$0x8190] =	vst v8;
	v8 =	vadd.f32 v13, v3  }
0xa7: {  	s8 =	sadd.s32 $0x10, s9;
	v13 =	vld [tilespmem:s23+$0x8180];
	[tilespmem:s23+$0x8210] =	vst v9  }
0xa8: {  	s13 =	simm.s32 $0x20;
	s17 =	simm.s32 $0x100;
	s16 =	sor.u32 $0x300, s8;
	v9 =	vld [tilespmem:s23+$0x8200];
	[tilespmem:s23+$0x8290] =	vst v8  }
0xa9: {  	s13 =	sand.u32 $0x60, s13;
	s10 =	sand.u32 $0x7C00, s17;
	v8 =	vadd.f32 v12, v6;
	v12 =	vld [tilespmem:s16+$0x8000]  }
0xaa: {  	s10 =	sor.u32 s13, s10;
	v14 =	vld [tilespmem:s23+$0x8280];
	v10 =	vadd.f32 v10, v7  }
0xab: {  	[tilespmem:s23+$0x8000] =	vst v8;
	v8 =	vadd.f32 v11, v5;
	v11 =	vld [tilespmem:s10+$0x8010]  }
0xac: {  	[tilespmem:s23+$0x8080] =	vst v10;
	v10 =	vadd.f32 v13, v4;
	v13 =	vld [tilespmem:s10+$0x8090]  }
0xad: {  	[tilespmem:s23+$0x8100] =	vst v8;
	v8 =	vadd.f32 v9, v2;
	v9 =	vld [tilespmem:s10+$0x8110]  }
0xae: {  	[tilespmem:s23+$0x8180] =	vst v10;
	v10 =	vld [tilespmem:s10+$0x8190];
	v12 =	vadd.f32 v12, v1  }
0xaf: {  	v14 =	vadd.f32 v14, v3;
	[tilespmem:s23+$0x8200] =	vst v8;
	v8 =	vld [tilespmem:s10+$0x8210]  }
0xb0: {  	s8 =	sor.u32 $0x380, s8;
	v15 =	vld [tilespmem:s10+$0x8290];
	v11 =	vadd.f32 v11, v6;
	[tilespmem:s16+$0x8000] =	vst v12  }
0xb1: {  	[tilespmem:s23+$0x8280] =	vst v14;
	v12 =	vadd.f32 v13, v7;
	v13 =	vld [tilespmem:s8+$0x8000]  }
0xb2: {  	s18 =	simm.s32 $0x1;
	v14 =	vld [tilespmem:s10+$0x8000];
	[tilespmem:s10+$0x8010] =	vst v11;
	v9 =	vadd.f32 v9, v5  }
0xb3: {  	s11 =	sand.u32 $0x3, s18;
	v11 =	vld [tilespmem:s10+$0x8080];
	[tilespmem:s10+$0x8090] =	vst v12;
	v10 =	vadd.f32 v10, v4  }
0xb4: {  	s11 =	sshll.u32 s11, $0x5;
	v12 =	vld [tilespmem:s10+$0x8100];
	[tilespmem:s10+$0x8110] =	vst v9;
	v8 =	vadd.f32 v8, v2  }
0xb5: {  	s13 =	sadd.s32 $0x100, s11;
	v9 =	vld [tilespmem:s10+$0x8180];
	[tilespmem:s10+$0x8190] =	vst v10;
	v10 =	vadd.f32 v15, v3  }
0xb6: {  	s11 =	sadd.s32 $0x10, s13;
	v15 =	vld [tilespmem:s10+$0x8200];
	[tilespmem:s10+$0x8210] =	vst v8;
	v8 =	vadd.f32 v13, v0  }
0xb7: {  	s20 =	simm.s32 $0x40;
	s19 =	sor.u32 $0x300, s11;
	s16 =	simm.s32 $0x200;
	v13 =	vadd.f32 v14, v6;
	v14 =	vld [tilespmem:s10+$0x8280];
	[tilespmem:s10+$0x8290] =	vst v10  }
0xb8: {  	s17 =	sand.u32 $0x60, s20;
	s23 =	sor.u32 $0x300, s9;
	s16 =	sand.u32 $0x7C00, s16;
	v10 =	vadd.f32 v11, v7;
	[tilespmem:s8+$0x8000] =	vst v8;
	v8 =	vld [tilespmem:s19+$0x8000]  }
0xb9: {  	v11 =	vld [tilespmem:s23+$0x8000];
	v12 =	vadd.f32 v12, v5;
	[tilespmem:s10+$0x8000] =	vst v13;
	s8 =	sor.u32 s17, s16  }
0xba: {  	[tilespmem:s10+$0x8080] =	vst v10;
	v9 =	vadd.f32 v9, v4;
	v10 =	vld [tilespmem:s8+$0x8010]  }
0xbb: {  	[tilespmem:s10+$0x8100] =	vst v12;
	v12 =	vadd.f32 v15, v2;
	v13 =	vld [tilespmem:s8+$0x8090]  }
0xbc: {  	[tilespmem:s10+$0x8180] =	vst v9;
	v9 =	vadd.f32 v14, v3;
	v14 =	vld [tilespmem:s8+$0x8110]  }
0xbd: {  	[tilespmem:s10+$0x8200] =	vst v12;
	v12 =	vld [tilespmem:s8+$0x8190];
	v8 =	vadd.f32 v8, v1  }
0xbe: {  	v11 =	vadd.f32 v11, v1;
	[tilespmem:s10+$0x8280] =	vst v9;
	v9 =	vld [tilespmem:s8+$0x8210]  }
0xbf: {  	s20 =	sor.u32 $0x380, s11;
	v15 =	vld [tilespmem:s8+$0x8290];
	v10 =	vadd.f32 v10, v6;
	[tilespmem:s19+$0x8000] =	vst v8  }
0xc0: {  	[tilespmem:s23+$0x8000] =	vst v11;
	v8 =	vadd.f32 v13, v7;
	v11 =	vld [tilespmem:s20+$0x8000]  }
0xc1: {  	v13 =	vld [tilespmem:s8+$0x8000];
	[tilespmem:s8+$0x8010] =	vst v10;
	v10 =	vadd.f32 v14, v5  }
0xc2: {  	s12 =	simm.s32 $0x2;
	v14 =	vld [tilespmem:s8+$0x8080];
	v12 =	vadd.f32 v12, v4;
	[tilespmem:s8+$0x8090] =	vst v8  }
0xc3: {  	s18 =	sand.u32 $0x3, s12;
	v8 =	vld [tilespmem:s8+$0x8100];
	[tilespmem:s8+$0x8110] =	vst v10;
	v16 =	vadd.f32 v9, v2  }
0xc4: {  	s11 =	sor.u32 $0x300, s13;
	s9 =	sor.u32 $0x380, s9;
	s19 =	sshll.u32 s18, $0x5;
	v9 =	vld [tilespmem:s8+$0x8180];
	[tilespmem:s8+$0x8190] =	vst v12;
	v12 =	vadd.f32 v15, v3  }
0xc5: {  	s17 =	simm.s32 $0x300;
	s10 =	sor.u32 $0x380, s13;
	s23 =	sadd.s32 $0x200, s19;
	v10 =	vld [tilespmem:s8+$0x8200];
	[tilespmem:s8+$0x8210] =	vst v16;
	v15 =	vadd.f32 v11, v0  }
0xc6: {  	s13 =	simm.s32 $0x4;
	s18 =	simm.s32 $0x60;
	s31 =	sadd.s32 $0x10, s23;
	[tilespmem:s8+$0x8290] =	vst v12;
	v13 =	vadd.f32 v13, v6;
	v11 =	vld [tilespmem:s8+$0x8280]  }
0xc7: {  	s30 =	sor.u32 $0x300, s23;
	s16 =	sor.u32 $0x380, s23;
	s19 =	sor.u32 $0x300, s31;
	v12 =	vld [tilespmem:s11+$0x8000];
	v14 =	vadd.f32 v14, v7;
	[tilespmem:s20+$0x8000] =	vst v15  }
.LBB2_5:
0xc8: {  	s20 =	sand.u32 $0x60, s18;
	s23 =	sand.u32 $0x7C00, s17;
	[tilespmem:s8+$0x8000] =	vst v13;
	v8 =	vadd.f32 v8, v5;
	v13 =	vld [tilespmem:s19+$0x8000]  }
0xc9: {  	s20 =	sor.u32 s20, s23;
	[tilespmem:s8+$0x8080] =	vst v14;
	v9 =	vadd.f32 v9, v4;
	v14 =	vld [tilespmem:s9+$0x8000]  }
0xca: {  	v15 =	vld [tilespmem:s20+$0x8010];
	[tilespmem:s8+$0x8100] =	vst v8;
	v8 =	vadd.f32 v10, v2  }
0xcb: {  	v10 =	vld [tilespmem:s20+$0x8090];
	[tilespmem:s8+$0x8180] =	vst v9;
	v9 =	vadd.f32 v11, v3  }
0xcc: {  	v11 =	vld [tilespmem:s20+$0x8110];
	[tilespmem:s8+$0x8200] =	vst v8;
	v8 =	vadd.f32 v12, v1  }
0xcd: {  	v12 =	vld [tilespmem:s20+$0x8190];
	[tilespmem:s8+$0x8280] =	vst v9;
	v9 =	vadd.f32 v13, v1;
	s8 =	smov.u32 s20  }
0xce: {  	s13 =	sadd.s32 $0x2, s13;
	v13 =	vld [tilespmem:s8+$0x8210];
	[tilespmem:s11+$0x8000] =	vst v8;
	v8 =	vadd.f32 v14, v0;
	s11 =	smov.u32 s30  }
0xcf: {  	p0 =	slt.u32 s13, $0xFE;
	s20 =	sor.u32 $0x380, s31;
	v14 =	vadd.f32 v15, v6;
	v15 =	vld [tilespmem:s8+$0x8290];
	[tilespmem:s19+$0x8000] =	vst v9  }
0xd0: {  	v9 =	vadd.f32 v10, v7;
	v16 =	vld [tilespmem:s20+$0x8000];
	[tilespmem:s9+$0x8000] =	vst v8;
	s9 =	smov.u32 s10;
	s10 =	smov.u32 s16  }
0xd1: {  	v17 =	vld [tilespmem:s8+$0x8000];
	[tilespmem:s8+$0x8010] =	vst v14;
	v10 =	vadd.f32 v11, v5  }
0xd2: {  	s12 =	sadd.s32 $0x1, s12;
	v14 =	vld [tilespmem:s8+$0x8080];
	[tilespmem:s8+$0x8090] =	vst v9;
	v11 =	vadd.f32 v12, v4  }
.Ltmp1:
0xd3: {  	s16 =	sand.u32 $0x3, s12;
	v8 =	vld [tilespmem:s8+$0x8100];
	[tilespmem:s8+$0x8110] =	vst v10;
	v12 =	vadd.f32 v13, v2;
	(pc) =	sbr.rel @p0 .LBB2_5-.Ltmp1, $4  }
0xd4: {  	s16 =	sshll.u32 s16, $0x5;
	v9 =	vld [tilespmem:s8+$0x8180];
	[tilespmem:s8+$0x8190] =	vst v11;
	v15 =	vadd.f32 v15, v3  }
0xd5: {  	s19 =	sadd.s32 s16, s17;
	v10 =	vld [tilespmem:s8+$0x8200];
	[tilespmem:s8+$0x8210] =	vst v12;
	v16 =	vadd.f32 v16, v0  }
0xd6: {  	s30 =	sor.u32 $0x300, s19;
	s16 =	sor.u32 $0x380, s19;
	s31 =	sadd.s32 $0x10, s19;
	v13 =	vadd.f32 v17, v6;
	v11 =	vld [tilespmem:s8+$0x8280];
	[tilespmem:s8+$0x8290] =	vst v15  }
0xd7: {  	s18 =	sadd.s32 $0x20, s18;
	s17 =	sadd.s32 $0x100, s17;
	s19 =	sor.u32 $0x300, s31;
	v14 =	vadd.f32 v14, v7;
	v12 =	vld [tilespmem:s11+$0x8000];
	[tilespmem:s20+$0x8000] =	vst v16  }
0xd8: {  	[tilespmem:s8+$0x8000] =	vst v13;
	v5 =	vadd.f32 v8, v5  }
0xd9: {  	[tilespmem:s8+$0x8080] =	vst v14;
	v4 =	vadd.f32 v9, v4  }
0xda: {  	[tilespmem:s8+$0x8100] =	vst v5;
	v2 =	vadd.f32 v10, v2  }
0xdb: {  	[tilespmem:s8+$0x8180] =	vst v4;
	v3 =	vadd.f32 v11, v3;
	v4 =	vld [tilespmem:s19+$0x8000]  }
0xdc: {  	[tilespmem:s8+$0x8200] =	vst v2  }
0xdd: {  	[tilespmem:s8+$0x8280] =	vst v3  }
0xde: {  	v2 =	vld [tilespmem:s30+$0x8000];
	_ =	sdelay $0x1  }
0xdf: {  	v3 =	vadd.f32 v4, v1;
	v4 =	vadd.f32 v12, v1;
	_ =	sdelay $0x1  }
0xe0: {  	[tilespmem:s11+$0x8000] =	vst v4  }
0xe1: {  	[tilespmem:s19+$0x8000] =	vst v3;
	v1 =	vadd.f32 v2, v1;
	v3 =	vld [tilespmem:s10+$0x8000]  }
0xe2: {  	s23 =	sor.u32 $0x380, s31;
	v5 =	vld [tilespmem:s9+$0x8000]  }
0xe3: {  	v2 =	vld [tilespmem:s23+$0x8000];
	[tilespmem:s30+$0x8000] =	vst v1  }
0xe4: {  	v1 =	vld [tilespmem:s16+$0x8000];
	_ =	sdelay $0x1  }
0xe5: {  	s18 =	sadd.s32 s0, s14;
	v3 =	vadd.f32 v3, v0  }
0xe6: {  	v4 =	vadd.f32 v5, v0;
	s19 =	sshll.u32 s18, $0x8  }
0xe7: {  	s12 =	sadd.s32 s0, s7;
	s20 =	sshll.u32 s18, $0x7;
	v2 =	vadd.f32 v2, v0;
	[tilespmem:s10+$0x8000] =	vst v3;
	s10 =	sand.u32 $0x7FFFF800, s19  }
0xe8: {  	s13 =	sshll.u32 s12, $0xC;
	[tilespmem:s9+$0x8000] =	vst v4;
	v0 =	vadd.f32 v1, v0;
	s10 =	ssub.s32 s20, s10  }
0xe9: {  	s8 =	sand.u32 $0x1FFFF000, s13;
	s11 =	sand.u32 $0x380, s20;
	[tilespmem:s23+$0x8000] =	vst v2;
	s10 =	sand.u32 $0xFFFFFC00, s10  }
0xea: {  	s17 =	simm.s32 $0x0;
	s8 =	sadd.s32 s3, s8;
	[tilespmem:s16+$0x8000] =	vst v0;
	s10 =	sor.u32 s11, s10  }
0xeb: {  	[hbm4b:s8+s17] =	stream.linear.scatter [tilespmem:s21], [sflag:$0x5], $0x8000, $0x38;
	[tilespmem:$0x18180] =	vst v63  }
0xec: {  	s23 =	simm.s32 $0x18000;
	s10 =	sadd.s32 $0x31C00, s10;
	_ =	swait.ge [sflag:s26], $0x8000  }
0xed: {  	s8 =	sshll.u32 s18, $0xC;
	s10 =	sshrl.u32 s10, $0x3;
	[sflag:s26] =	ssyncset.done $0x0  }
0xee: {  	s8 =	sand.u32 $0x1FFFF000, s8;
	s10 =	sadd.s32 s6, s10;
	[sflag:s26] =	ssyncadd.s32 $0xFFFF8000  }
0xef: {  	[tilespmem:s23], [sflag:$0x1] =	stream.linear.gather [hbm4b:s10+s17], $0x80, $0x38;
	[tilespmem:$0x18180] =	vst v63  }
0xf0: {  	s8 =	sadd.s32 s1, s8  }
0xf1: {  	[tilespmem:s17], [sflag:$0x1] =	stream.linear.gather [hbm4b:s8+s17], $0x8000, $0x38;
	[tilespmem:$0x18180] =	vst v63  }
0xf2: {  	_ =	swait.ge [sflag:s28], $0x80  }
0xf3: {  	[sflag:s28] =	ssyncset.done $0x0  }
0xf4: {  	[sflag:s28] =	ssyncadd.s32 $0xFFFFFF80  }
0xf5: {  	_ =	swait.ge [sflag:s28], $0x8000  }
0xf6: {  	[sflag:s28] =	ssyncset.done $0x0  }
0xf7: {  	[sflag:s28] =	ssyncadd.s32 $0xFFFF8000  }
0xf8: {  	v6 =	vld [tilespmem:$0x18100]  }
0xf9: {  	v7 =	vld [tilespmem:$0x18110]  }
0xfa: {  	v5 =	vld [tilespmem:$0x18120]  }
0xfb: {  	v4 =	vld [tilespmem:$0x18130]  }
0xfc: {  	s12 =	sand.u32 $0x60, s17;
	s13 =	sand.u32 $0x7C00, s17;
	v3 =	vld [tilespmem:$0x18140]  }
0xfd: {  	s8 =	sor.u32 s12, s13;
	v2 =	vld [tilespmem:$0x18150]  }
0xfe: {  	v0 =	vld [tilespmem:s8+$0x10010]  }
0xff: {  	v8 =	vld [tilespmem:s8+$0x10090]  }
0x100: {  	v9 =	vld [tilespmem:s8+$0x10110]  }
0x101: {  	v10 =	vld [tilespmem:s8+$0x10190]  }
0x102: {  	v11 =	vld [tilespmem:s8+$0x10210]  }
0x103: {  	v13 =	vld [tilespmem:s8+$0x10290];
	v12 =	vadd.f32 v0, v6  }
0x104: {  	v1 =	vld [tilespmem:$0x18160];
	v8 =	vadd.f32 v8, v7  }
0x105: {  	v0 =	vld [tilespmem:$0x18170];
	v9 =	vadd.f32 v9, v5;
	[tilespmem:s8+$0x10010] =	vst v12  }
0x106: {  	s9 =	sand.u32 $0x3, s17;
	v12 =	vld [tilespmem:s8+$0x10000];
	[tilespmem:s8+$0x10090] =	vst v8;
	v8 =	vadd.f32 v10, v4  }
0x107: {  	s9 =	sshll.u32 s9, $0x5;
	v10 =	vld [tilespmem:s8+$0x10080];
	[tilespmem:s8+$0x10110] =	vst v9;
	v9 =	vadd.f32 v11, v3  }
0x108: {  	s9 =	sadd.s32 $0x0, s9;
	v11 =	vld [tilespmem:s8+$0x10100];
	[tilespmem:s8+$0x10190] =	vst v8;
	v8 =	vadd.f32 v13, v2  }
0x109: {  	s16 =	sadd.s32 $0x10, s9;
	v13 =	vld [tilespmem:s8+$0x10180];
	[tilespmem:s8+$0x10210] =	vst v9  }
0x10a: {  	s12 =	sor.u32 $0x300, s16;
	s17 =	simm.s32 $0x100;
	s13 =	simm.s32 $0x20;
	v9 =	vld [tilespmem:s8+$0x10200];
	[tilespmem:s8+$0x10290] =	vst v8  }
0x10b: {  	s13 =	sand.u32 $0x60, s13;
	s10 =	sand.u32 $0x7C00, s17;
	v8 =	vadd.f32 v12, v6;
	v12 =	vld [tilespmem:s12+$0x10000]  }
0x10c: {  	s10 =	sor.u32 s13, s10;
	v14 =	vld [tilespmem:s8+$0x10280];
	v10 =	vadd.f32 v10, v7  }
0x10d: {  	[tilespmem:s8+$0x10000] =	vst v8;
	v8 =	vadd.f32 v11, v5;
	v11 =	vld [tilespmem:s10+$0x10010]  }
0x10e: {  	[tilespmem:s8+$0x10080] =	vst v10;
	v10 =	vadd.f32 v13, v4;
	v13 =	vld [tilespmem:s10+$0x10090]  }
0x10f: {  	[tilespmem:s8+$0x10100] =	vst v8;
	v8 =	vadd.f32 v9, v3;
	v9 =	vld [tilespmem:s10+$0x10110]  }
0x110: {  	[tilespmem:s8+$0x10180] =	vst v10;
	v10 =	vld [tilespmem:s10+$0x10190];
	v12 =	vadd.f32 v12, v1  }
0x111: {  	v14 =	vadd.f32 v14, v2;
	[tilespmem:s8+$0x10200] =	vst v8;
	v8 =	vld [tilespmem:s10+$0x10210]  }
0x112: {  	s11 =	sor.u32 $0x380, s16;
	v15 =	vld [tilespmem:s10+$0x10290];
	v11 =	vadd.f32 v11, v6;
	[tilespmem:s12+$0x10000] =	vst v12  }
0x113: {  	[tilespmem:s8+$0x10280] =	vst v14;
	v12 =	vadd.f32 v13, v7;
	v13 =	vld [tilespmem:s11+$0x10000]  }
0x114: {  	s18 =	simm.s32 $0x1;
	v14 =	vld [tilespmem:s10+$0x10000];
	[tilespmem:s10+$0x10010] =	vst v11;
	v9 =	vadd.f32 v9, v5  }
0x115: {  	s8 =	sand.u32 $0x3, s18;
	v11 =	vld [tilespmem:s10+$0x10080];
	[tilespmem:s10+$0x10090] =	vst v12;
	v10 =	vadd.f32 v10, v4  }
0x116: {  	s8 =	sshll.u32 s8, $0x5;
	v12 =	vld [tilespmem:s10+$0x10100];
	[tilespmem:s10+$0x10110] =	vst v9;
	v8 =	vadd.f32 v8, v3  }
0x117: {  	s13 =	sadd.s32 $0x100, s8;
	v9 =	vld [tilespmem:s10+$0x10180];
	[tilespmem:s10+$0x10190] =	vst v10;
	v10 =	vadd.f32 v15, v2  }
0x118: {  	s19 =	sadd.s32 $0x10, s13;
	v15 =	vld [tilespmem:s10+$0x10200];
	[tilespmem:s10+$0x10210] =	vst v8;
	v8 =	vadd.f32 v13, v0  }
0x119: {  	s23 =	simm.s32 $0x200;
	s17 =	simm.s32 $0x40;
	s20 =	sor.u32 $0x300, s19;
	v13 =	vadd.f32 v14, v6;
	v14 =	vld [tilespmem:s10+$0x10280];
	[tilespmem:s10+$0x10290] =	vst v10  }
0x11a: {  	s17 =	sand.u32 $0x60, s17;
	s18 =	sor.u32 $0x300, s9;
	s8 =	sand.u32 $0x7C00, s23;
	v10 =	vadd.f32 v11, v7;
	[tilespmem:s11+$0x10000] =	vst v8;
	v8 =	vld [tilespmem:s20+$0x10000]  }
0x11b: {  	s8 =	sor.u32 s17, s8;
	v11 =	vld [tilespmem:s18+$0x10000];
	v12 =	vadd.f32 v12, v5;
	[tilespmem:s10+$0x10000] =	vst v13  }
0x11c: {  	[tilespmem:s10+$0x10080] =	vst v10;
	v9 =	vadd.f32 v9, v4;
	v10 =	vld [tilespmem:s8+$0x10010]  }
0x11d: {  	v13 =	vld [tilespmem:s8+$0x10090];
	[tilespmem:s10+$0x10100] =	vst v12;
	v12 =	vadd.f32 v15, v3  }
0x11e: {  	[tilespmem:s10+$0x10180] =	vst v9;
	v9 =	vadd.f32 v14, v2;
	v14 =	vld [tilespmem:s8+$0x10110]  }
0x11f: {  	[tilespmem:s10+$0x10200] =	vst v12;
	v12 =	vld [tilespmem:s8+$0x10190];
	v8 =	vadd.f32 v8, v1  }
0x120: {  	v11 =	vadd.f32 v11, v1;
	[tilespmem:s10+$0x10280] =	vst v9;
	v9 =	vld [tilespmem:s8+$0x10210]  }
0x121: {  	v15 =	vld [tilespmem:s8+$0x10290];
	v10 =	vadd.f32 v10, v6;
	[tilespmem:s20+$0x10000] =	vst v8;
	s20 =	sor.u32 $0x380, s19  }
0x122: {  	[tilespmem:s18+$0x10000] =	vst v11;
	v8 =	vadd.f32 v13, v7;
	v11 =	vld [tilespmem:s20+$0x10000]  }
0x123: {  	v13 =	vld [tilespmem:s8+$0x10000];
	[tilespmem:s8+$0x10010] =	vst v10;
	v10 =	vadd.f32 v14, v5  }
0x124: {  	s12 =	simm.s32 $0x2;
	v14 =	vld [tilespmem:s8+$0x10080];
	v12 =	vadd.f32 v12, v4;
	[tilespmem:s8+$0x10090] =	vst v8  }
0x125: {  	s18 =	sand.u32 $0x3, s12;
	v8 =	vld [tilespmem:s8+$0x10100];
	[tilespmem:s8+$0x10110] =	vst v10;
	v16 =	vadd.f32 v9, v3  }
0x126: {  	s9 =	sor.u32 $0x380, s9;
	s17 =	simm.s32 $0x300;
	s19 =	sshll.u32 s18, $0x5;
	v9 =	vld [tilespmem:s8+$0x10180];
	[tilespmem:s8+$0x10190] =	vst v12;
	v12 =	vadd.f32 v15, v2  }
0x127: {  	s11 =	sor.u32 $0x300, s13;
	s10 =	sor.u32 $0x380, s13;
	s23 =	sadd.s32 $0x200, s19;
	v10 =	vld [tilespmem:s8+$0x10200];
	[tilespmem:s8+$0x10210] =	vst v16;
	v15 =	vadd.f32 v11, v0  }
0x128: {  	s13 =	simm.s32 $0x4;
	s18 =	simm.s32 $0x60;
	s31 =	sadd.s32 $0x10, s23;
	[tilespmem:s8+$0x10290] =	vst v12;
	v13 =	vadd.f32 v13, v6;
	v11 =	vld [tilespmem:s8+$0x10280]  }
0x129: {  	s30 =	sor.u32 $0x300, s23;
	s16 =	sor.u32 $0x380, s23;
	s19 =	sor.u32 $0x300, s31;
	v12 =	vld [tilespmem:s11+$0x10000];
	v14 =	vadd.f32 v14, v7;
	[tilespmem:s20+$0x10000] =	vst v15  }
.LBB2_7:
0x12a: {  	s20 =	sand.u32 $0x60, s18;
	s23 =	sand.u32 $0x7C00, s17;
	[tilespmem:s8+$0x10000] =	vst v13;
	v8 =	vadd.f32 v8, v5;
	v13 =	vld [tilespmem:s19+$0x10000]  }
0x12b: {  	s20 =	sor.u32 s20, s23;
	[tilespmem:s8+$0x10080] =	vst v14;
	v9 =	vadd.f32 v9, v4;
	v14 =	vld [tilespmem:s9+$0x10000]  }
0x12c: {  	v15 =	vld [tilespmem:s20+$0x10010];
	[tilespmem:s8+$0x10100] =	vst v8;
	v8 =	vadd.f32 v10, v3  }
0x12d: {  	v10 =	vld [tilespmem:s20+$0x10090];
	[tilespmem:s8+$0x10180] =	vst v9;
	v9 =	vadd.f32 v11, v2  }
0x12e: {  	v11 =	vld [tilespmem:s20+$0x10110];
	[tilespmem:s8+$0x10200] =	vst v8;
	v8 =	vadd.f32 v12, v1  }
0x12f: {  	v12 =	vld [tilespmem:s20+$0x10190];
	[tilespmem:s8+$0x10280] =	vst v9;
	v9 =	vadd.f32 v13, v1;
	s8 =	smov.u32 s20  }
0x130: {  	s13 =	sadd.s32 $0x2, s13;
	v13 =	vld [tilespmem:s8+$0x10210];
	[tilespmem:s11+$0x10000] =	vst v8;
	v8 =	vadd.f32 v14, v0;
	s11 =	smov.u32 s30  }
0x131: {  	p0 =	slt.u32 s13, $0xFE;
	s20 =	sor.u32 $0x380, s31;
	v14 =	vadd.f32 v15, v6;
	v15 =	vld [tilespmem:s8+$0x10290];
	[tilespmem:s19+$0x10000] =	vst v9  }
0x132: {  	v9 =	vadd.f32 v10, v7;
	v16 =	vld [tilespmem:s20+$0x10000];
	[tilespmem:s9+$0x10000] =	vst v8;
	s9 =	smov.u32 s10;
	s10 =	smov.u32 s16  }
0x133: {  	v17 =	vld [tilespmem:s8+$0x10000];
	[tilespmem:s8+$0x10010] =	vst v14;
	v10 =	vadd.f32 v11, v5  }
0x134: {  	s12 =	sadd.s32 $0x1, s12;
	v14 =	vld [tilespmem:s8+$0x10080];
	[tilespmem:s8+$0x10090] =	vst v9;
	v11 =	vadd.f32 v12, v4  }
.Ltmp2:
0x135: {  	s16 =	sand.u32 $0x3, s12;
	v8 =	vld [tilespmem:s8+$0x10100];
	[tilespmem:s8+$0x10110] =	vst v10;
	v12 =	vadd.f32 v13, v3;
	(pc) =	sbr.rel @p0 .LBB2_7-.Ltmp2, $4  }
0x136: {  	s16 =	sshll.u32 s16, $0x5;
	v9 =	vld [tilespmem:s8+$0x10180];
	[tilespmem:s8+$0x10190] =	vst v11;
	v15 =	vadd.f32 v15, v2  }
0x137: {  	s19 =	sadd.s32 s16, s17;
	v10 =	vld [tilespmem:s8+$0x10200];
	[tilespmem:s8+$0x10210] =	vst v12;
	v16 =	vadd.f32 v16, v0  }
0x138: {  	s30 =	sor.u32 $0x300, s19;
	s16 =	sor.u32 $0x380, s19;
	s31 =	sadd.s32 $0x10, s19;
	v13 =	vadd.f32 v17, v6;
	v11 =	vld [tilespmem:s8+$0x10280];
	[tilespmem:s8+$0x10290] =	vst v15  }
0x139: {  	s18 =	sadd.s32 $0x20, s18;
	s17 =	sadd.s32 $0x100, s17;
	s19 =	sor.u32 $0x300, s31;
	v14 =	vadd.f32 v14, v7;
	v12 =	vld [tilespmem:s11+$0x10000];
	[tilespmem:s20+$0x10000] =	vst v16  }
0x13a: {  	[tilespmem:s8+$0x10000] =	vst v13;
	v5 =	vadd.f32 v8, v5  }
0x13b: {  	[tilespmem:s8+$0x10080] =	vst v14;
	v4 =	vadd.f32 v9, v4  }
0x13c: {  	[tilespmem:s8+$0x10100] =	vst v5;
	v3 =	vadd.f32 v10, v3  }
0x13d: {  	[tilespmem:s8+$0x10180] =	vst v4;
	v2 =	vadd.f32 v11, v2  }
0x13e: {  	[tilespmem:s8+$0x10200] =	vst v3  }
0x13f: {  	v55 =	vld [tilespmem:s19+$0x10000];
	[tilespmem:s8+$0x10280] =	vst v2  }
0x140: {  	v2 =	vld [tilespmem:s30+$0x10000];
	_ =	sdelay $0x2  }
0x141: {  	v57 =	vadd.f32 v12, v1  }
0x142: {  	v56 =	vadd.f32 v55, v1  }
0x143: {  	v58 =	vld [tilespmem:s9+$0x10000];
	[tilespmem:s11+$0x10000] =	vst v57;
	v59 =	vadd.f32 v2, v1  }
0x144: {  	s18 =	sor.u32 $0x380, s31;
	[tilespmem:s19+$0x10000] =	vst v56;
	v61 =	vld [tilespmem:s10+$0x10000]  }
0x145: {  	v60 =	vld [tilespmem:s18+$0x10000];
	[tilespmem:s30+$0x10000] =	vst v59  }
0x146: {  	v1 =	vld [tilespmem:s16+$0x10000];
	_ =	sdelay $0x1  }
0x147: {  	v62 =	vadd.f32 v58, v0  }
0x148: {  	v3 =	vadd.f32 v61, v0  }
0x149: {  	[tilespmem:s9+$0x10000] =	vst v62;
	s19 =	sadd.s32 s5, s22;
	v2 =	vadd.f32 v60, v0  }
0x14a: {  	s20 =	sshll.u32 s19, $0xC;
	[tilespmem:s10+$0x10000] =	vst v3;
	v63 =	vadd.f32 v1, v0  }
0x14b: {  	s0 =	sadd.s32 s0, s15;
	s8 =	sand.u32 $0x1FFFF000, s20;
	[tilespmem:s18+$0x10000] =	vst v2  }
0x14c: {  	s23 =	sshll.u32 s0, $0x8;
	s22 =	simm.s32 $0x10000;
	s8 =	sadd.s32 s3, s8;
	[tilespmem:s16+$0x10000] =	vst v63  }
0x14d: {  	[hbm4b:s8+s4] =	stream.linear.scatter [tilespmem:s22], [sflag:$0x6], $0x8000, $0x38;
	[tilespmem:$0x18180] =	vst v63  }
0x14e: {  	s30 =	sshll.u32 s0, $0x7;
	s8 =	sand.u32 $0x7FFFF800, s23  }
0x14f: {  	s8 =	ssub.s32 s30, s8  }
0x150: {  	s2 =	sadd.s32 $0x1, s2;
	s9 =	sand.u32 $0x380, s30;
	s8 =	sand.u32 $0xFFFFFC00, s8  }
0x151: {  	s31 =	simm.s32 $0x18080;
	p0 =	sne.s32 s2, $0x10;
	s8 =	sor.u32 s9, s8  }
0x152: {  	s0 =	sshll.u32 s0, $0xC;
	_ =	swait.ge [sflag:s29], $0x8000;
	s8 =	sadd.s32 $0x31C00, s8  }
.Ltmp3:
0x153: {  	[sflag:s29] =	ssyncset.done $0x0;
	s8 =	sshrl.u32 s8, $0x3;
	(pc) =	sbr.rel @p0 .LBB2_2-.Ltmp3, $4  }
0x154: {  	s0 =	sand.u32 $0x1FFFF000, s0;
	[sflag:s29] =	ssyncadd.s32 $0xFFFF8000;
	s8 =	sadd.s32 s6, s8  }
0x155: {  	[tilespmem:s31], [sflag:$0x2] =	stream.linear.gather [hbm4b:s8+s4], $0x80, $0x38;
	[tilespmem:$0x18180] =	vst v63  }
0x156: {  	s0 =	sadd.s32 s1, s0  }
0x157: {  	[tilespmem:s21], [sflag:$0x2] =	stream.linear.gather [hbm4b:s0+s4], $0x8000, $0x38;
	[tilespmem:$0x18180] =	vst v63  }
0x158: {  	_ =	swait.ge [sflag:s24], $0x80  }
0x159: {  	[sflag:s24] =	ssyncset.done $0x0  }
0x15a: {  	[sflag:s24] =	ssyncadd.s32 $0xFFFFFF80  }
0x15b: {  	_ =	swait.ge [sflag:s24], $0x8000  }
0x15c: {  	[sflag:s24] =	ssyncset.done $0x0  }
0x15d: {  	[sflag:s24] =	ssyncadd.s32 $0xFFFF8000  }
0x15e: {  	v6 =	vld [tilespmem:$0x18000]  }
0x15f: {  	v7 =	vld [tilespmem:$0x18010]  }
0x160: {  	v5 =	vld [tilespmem:$0x18020]  }
0x161: {  	s0 =	simm.s32 $0x0;
	v4 =	vld [tilespmem:$0x18030]  }
0x162: {  	s2 =	sand.u32 $0x60, s0;
	s8 =	sand.u32 $0x7C00, s0;
	v2 =	vld [tilespmem:$0x18040]  }
0x163: {  	s9 =	sor.u32 s2, s8;
	v3 =	vld [tilespmem:$0x18050]  }
0x164: {  	v0 =	vld [tilespmem:s9+$0x10]  }
0x165: {  	v8 =	vld [tilespmem:s9+$0x90]  }
0x166: {  	v9 =	vld [tilespmem:s9+$0x110]  }
0x167: {  	v10 =	vld [tilespmem:s9+$0x190]  }
0x168: {  	v11 =	vld [tilespmem:s9+$0x210]  }
0x169: {  	v13 =	vld [tilespmem:s9+$0x290];
	v12 =	vadd.f32 v0, v6  }
0x16a: {  	v1 =	vld [tilespmem:$0x18060];
	v8 =	vadd.f32 v8, v7  }
0x16b: {  	v0 =	vld [tilespmem:$0x18070];
	v9 =	vadd.f32 v9, v5;
	[tilespmem:s9+$0x10] =	vst v12  }
0x16c: {  	s0 =	sand.u32 $0x3, s0;
	v12 =	vld [tilespmem:s9+$0x0];
	[tilespmem:s9+$0x90] =	vst v8;
	v8 =	vadd.f32 v10, v4  }
0x16d: {  	s0 =	sshll.u32 s0, $0x5;
	v10 =	vld [tilespmem:s9+$0x80];
	[tilespmem:s9+$0x110] =	vst v9;
	v9 =	vadd.f32 v11, v2  }
0x16e: {  	s31 =	sadd.s32 $0x0, s0;
	v11 =	vld [tilespmem:s9+$0x100];
	[tilespmem:s9+$0x190] =	vst v8;
	v8 =	vadd.f32 v13, v3  }
0x16f: {  	s0 =	sadd.s32 $0x10, s31;
	v13 =	vld [tilespmem:s9+$0x180];
	[tilespmem:s9+$0x210] =	vst v9  }
0x170: {  	s17 =	simm.s32 $0x100;
	s11 =	simm.s32 $0x20;
	s10 =	sor.u32 $0x300, s0;
	v9 =	vld [tilespmem:s9+$0x200];
	[tilespmem:s9+$0x290] =	vst v8  }
0x171: {  	s11 =	sand.u32 $0x60, s11;
	s8 =	sand.u32 $0x7C00, s17;
	v8 =	vadd.f32 v12, v6;
	v12 =	vld [tilespmem:s10+$0x0]  }
0x172: {  	s8 =	sor.u32 s11, s8;
	v14 =	vld [tilespmem:s9+$0x280];
	v10 =	vadd.f32 v10, v7  }
0x173: {  	[tilespmem:s9+$0x0] =	vst v8;
	v8 =	vadd.f32 v11, v5;
	v11 =	vld [tilespmem:s8+$0x10]  }
0x174: {  	[tilespmem:s9+$0x80] =	vst v10;
	v10 =	vadd.f32 v13, v4;
	v13 =	vld [tilespmem:s8+$0x90]  }
0x175: {  	[tilespmem:s9+$0x100] =	vst v8;
	v8 =	vadd.f32 v9, v2;
	v9 =	vld [tilespmem:s8+$0x110]  }
0x176: {  	[tilespmem:s9+$0x180] =	vst v10;
	v10 =	vld [tilespmem:s8+$0x190];
	v12 =	vadd.f32 v12, v1  }
0x177: {  	v14 =	vadd.f32 v14, v3;
	[tilespmem:s9+$0x200] =	vst v8;
	v8 =	vld [tilespmem:s8+$0x210]  }
0x178: {  	s0 =	sor.u32 $0x380, s0;
	v15 =	vld [tilespmem:s8+$0x290];
	v11 =	vadd.f32 v11, v6;
	[tilespmem:s10+$0x0] =	vst v12  }
0x179: {  	[tilespmem:s9+$0x280] =	vst v14;
	v12 =	vadd.f32 v13, v7;
	v13 =	vld [tilespmem:s0+$0x0]  }
0x17a: {  	s18 =	simm.s32 $0x1;
	v14 =	vld [tilespmem:s8+$0x0];
	[tilespmem:s8+$0x10] =	vst v11;
	v9 =	vadd.f32 v9, v5  }
0x17b: {  	s9 =	sand.u32 $0x3, s18;
	v11 =	vld [tilespmem:s8+$0x80];
	[tilespmem:s8+$0x90] =	vst v12;
	v10 =	vadd.f32 v10, v4  }
0x17c: {  	s9 =	sshll.u32 s9, $0x5;
	v12 =	vld [tilespmem:s8+$0x100];
	[tilespmem:s8+$0x110] =	vst v9;
	v8 =	vadd.f32 v8, v2  }
0x17d: {  	s19 =	sadd.s32 $0x100, s9;
	v9 =	vld [tilespmem:s8+$0x180];
	[tilespmem:s8+$0x190] =	vst v10;
	v10 =	vadd.f32 v15, v3  }
0x17e: {  	s9 =	sadd.s32 $0x10, s19;
	v15 =	vld [tilespmem:s8+$0x200];
	[tilespmem:s8+$0x210] =	vst v8;
	v8 =	vadd.f32 v13, v0  }
0x17f: {  	s12 =	simm.s32 $0x200;
	s13 =	simm.s32 $0x40;
	s20 =	sor.u32 $0x300, s9;
	v13 =	vadd.f32 v14, v6;
	v14 =	vld [tilespmem:s8+$0x280];
	[tilespmem:s8+$0x290] =	vst v10  }
0x180: {  	s22 =	sand.u32 $0x60, s13;
	s12 =	sand.u32 $0x7C00, s12;
	s16 =	sor.u32 $0x300, s31;
	v10 =	vadd.f32 v11, v7;
	[tilespmem:s0+$0x0] =	vst v8;
	v8 =	vld [tilespmem:s20+$0x0]  }
0x181: {  	v11 =	vld [tilespmem:s16+$0x0];
	v12 =	vadd.f32 v12, v5;
	[tilespmem:s8+$0x0] =	vst v13;
	s0 =	sor.u32 s22, s12  }
0x182: {  	[tilespmem:s8+$0x80] =	vst v10;
	v9 =	vadd.f32 v9, v4;
	v10 =	vld [tilespmem:s0+$0x10]  }
0x183: {  	[tilespmem:s8+$0x100] =	vst v12;
	v12 =	vadd.f32 v15, v2;
	v13 =	vld [tilespmem:s0+$0x90]  }
0x184: {  	[tilespmem:s8+$0x180] =	vst v9;
	v9 =	vadd.f32 v14, v3;
	v14 =	vld [tilespmem:s0+$0x110]  }
0x185: {  	[tilespmem:s8+$0x200] =	vst v12;
	v12 =	vld [tilespmem:s0+$0x190];
	v8 =	vadd.f32 v8, v1  }
0x186: {  	v11 =	vadd.f32 v11, v1;
	[tilespmem:s8+$0x280] =	vst v9;
	v9 =	vld [tilespmem:s0+$0x210]  }
0x187: {  	v15 =	vld [tilespmem:s0+$0x290];
	v10 =	vadd.f32 v10, v6;
	[tilespmem:s20+$0x0] =	vst v8;
	s20 =	sor.u32 $0x380, s9  }
0x188: {  	[tilespmem:s16+$0x0] =	vst v11;
	v8 =	vadd.f32 v13, v7;
	v11 =	vld [tilespmem:s20+$0x0]  }
0x189: {  	s10 =	simm.s32 $0x2;
	v13 =	vld [tilespmem:s0+$0x0];
	[tilespmem:s0+$0x10] =	vst v10;
	v10 =	vadd.f32 v14, v5  }
0x18a: {  	s23 =	sand.u32 $0x3, s10;
	v14 =	vld [tilespmem:s0+$0x80];
	v12 =	vadd.f32 v12, v4;
	[tilespmem:s0+$0x90] =	vst v8  }
0x18b: {  	s30 =	sshll.u32 s23, $0x5;
	v8 =	vld [tilespmem:s0+$0x100];
	[tilespmem:s0+$0x110] =	vst v10;
	v16 =	vadd.f32 v9, v2  }
0x18c: {  	s2 =	sor.u32 $0x380, s31;
	s31 =	sadd.s32 $0x200, s30;
	v9 =	vld [tilespmem:s0+$0x180];
	[tilespmem:s0+$0x190] =	vst v12;
	v12 =	vadd.f32 v15, v3  }
0x18d: {  	s13 =	simm.s32 $0x300;
	s11 =	simm.s32 $0x4;
	s17 =	sor.u32 $0x300, s31;
	v10 =	vld [tilespmem:s0+$0x200];
	[tilespmem:s0+$0x210] =	vst v16;
	v15 =	vadd.f32 v11, v0  }
0x18e: {  	s18 =	sadd.s32 $0x10, s31;
	s12 =	sor.u32 $0x380, s31;
	s9 =	sor.u32 $0x300, s19;
	[tilespmem:s0+$0x290] =	vst v12;
	v13 =	vadd.f32 v13, v6;
	v11 =	vld [tilespmem:s0+$0x280]  }
0x18f: {  	s8 =	sor.u32 $0x380, s19;
	s16 =	simm.s32 $0x60;
	s19 =	sor.u32 $0x300, s18;
	v12 =	vld [tilespmem:s9+$0x0];
	v14 =	vadd.f32 v14, v7;
	[tilespmem:s20+$0x0] =	vst v15  }
.LBB2_10:
0x190: {  	s20 =	sand.u32 $0x60, s16;
	s22 =	sand.u32 $0x7C00, s13;
	[tilespmem:s0+$0x0] =	vst v13;
	v8 =	vadd.f32 v8, v5;
	v13 =	vld [tilespmem:s19+$0x0]  }
0x191: {  	s20 =	sor.u32 s20, s22;
	[tilespmem:s0+$0x80] =	vst v14;
	v9 =	vadd.f32 v9, v4;
	v14 =	vld [tilespmem:s2+$0x0]  }
0x192: {  	v15 =	vld [tilespmem:s20+$0x10];
	[tilespmem:s0+$0x100] =	vst v8;
	v8 =	vadd.f32 v10, v2  }
0x193: {  	v10 =	vld [tilespmem:s20+$0x90];
	[tilespmem:s0+$0x180] =	vst v9;
	v9 =	vadd.f32 v11, v3  }
0x194: {  	v11 =	vld [tilespmem:s20+$0x110];
	[tilespmem:s0+$0x200] =	vst v8;
	v8 =	vadd.f32 v12, v1  }
0x195: {  	v12 =	vld [tilespmem:s20+$0x190];
	[tilespmem:s0+$0x280] =	vst v9;
	v9 =	vadd.f32 v13, v1;
	s0 =	smov.u32 s20  }
0x196: {  	s11 =	sadd.s32 $0x2, s11;
	v13 =	vld [tilespmem:s0+$0x210];
	[tilespmem:s9+$0x0] =	vst v8;
	v8 =	vadd.f32 v14, v0;
	s9 =	smov.u32 s17  }
0x197: {  	p0 =	slt.u32 s11, $0xFE;
	s20 =	sor.u32 $0x380, s18;
	v14 =	vadd.f32 v15, v6;
	v15 =	vld [tilespmem:s0+$0x290];
	[tilespmem:s19+$0x0] =	vst v9  }
0x198: {  	v9 =	vadd.f32 v10, v7;
	v16 =	vld [tilespmem:s20+$0x0];
	[tilespmem:s2+$0x0] =	vst v8;
	s2 =	smov.u32 s8;
	s8 =	smov.u32 s12  }
0x199: {  	v17 =	vld [tilespmem:s0+$0x0];
	[tilespmem:s0+$0x10] =	vst v14;
	v10 =	vadd.f32 v11, v5  }
0x19a: {  	s10 =	sadd.s32 $0x1, s10;
	v14 =	vld [tilespmem:s0+$0x80];
	[tilespmem:s0+$0x90] =	vst v9;
	v11 =	vadd.f32 v12, v4  }
.Ltmp4:
0x19b: {  	s12 =	sand.u32 $0x3, s10;
	v8 =	vld [tilespmem:s0+$0x100];
	[tilespmem:s0+$0x110] =	vst v10;
	v12 =	vadd.f32 v13, v2;
	(pc) =	sbr.rel @p0 .LBB2_10-.Ltmp4, $4  }
0x19c: {  	s12 =	sshll.u32 s12, $0x5;
	v9 =	vld [tilespmem:s0+$0x180];
	[tilespmem:s0+$0x190] =	vst v11;
	v15 =	vadd.f32 v15, v3  }
0x19d: {  	s18 =	sadd.s32 s12, s13;
	v10 =	vld [tilespmem:s0+$0x200];
	[tilespmem:s0+$0x210] =	vst v12;
	v16 =	vadd.f32 v16, v0  }
0x19e: {  	s17 =	sor.u32 $0x300, s18;
	s12 =	sor.u32 $0x380, s18;
	s18 =	sadd.s32 $0x10, s18;
	v13 =	vadd.f32 v17, v6;
	v11 =	vld [tilespmem:s0+$0x280];
	[tilespmem:s0+$0x290] =	vst v15  }
0x19f: {  	s16 =	sadd.s32 $0x20, s16;
	s13 =	sadd.s32 $0x100, s13;
	s19 =	sor.u32 $0x300, s18;
	v14 =	vadd.f32 v14, v7;
	v12 =	vld [tilespmem:s9+$0x0];
	[tilespmem:s20+$0x0] =	vst v16  }
0x1a0: {  	[tilespmem:s0+$0x0] =	vst v13;
	v5 =	vadd.f32 v8, v5  }
0x1a1: {  	[tilespmem:s0+$0x80] =	vst v14;
	v4 =	vadd.f32 v9, v4  }
0x1a2: {  	[tilespmem:s0+$0x100] =	vst v5;
	v2 =	vadd.f32 v10, v2  }
0x1a3: {  	[tilespmem:s0+$0x180] =	vst v4;
	v3 =	vadd.f32 v11, v3  }
0x1a4: {  	v4 =	vld [tilespmem:s19+$0x0];
	[tilespmem:s0+$0x200] =	vst v2  }
0x1a5: {  	[tilespmem:s0+$0x280] =	vst v3  }
0x1a6: {  	v2 =	vld [tilespmem:s17+$0x0];
	_ =	sdelay $0x2  }
0x1a7: {  	v3 =	vadd.f32 v4, v1  }
0x1a8: {  	v4 =	vadd.f32 v12, v1  }
0x1a9: {  	v5 =	vld [tilespmem:s2+$0x0];
	[tilespmem:s19+$0x0] =	vst v3;
	s19 =	sor.u32 $0x380, s18;
	v1 =	vadd.f32 v2, v1  }
0x1aa: {  	[tilespmem:s9+$0x0] =	vst v4;
	v2 =	vld [tilespmem:s19+$0x0]  }
0x1ab: {  	v3 =	vld [tilespmem:s8+$0x0];
	[tilespmem:s17+$0x0] =	vst v1  }
0x1ac: {  	v1 =	vld [tilespmem:s12+$0x0];
	_ =	sdelay $0x1  }
0x1ad: {  	v4 =	vadd.f32 v5, v0  }
0x1ae: {  	v2 =	vadd.f32 v2, v0  }
0x1af: {  	[tilespmem:s2+$0x0] =	vst v4;
	v3 =	vadd.f32 v3, v0  }
0x1b0: {  	[tilespmem:s19+$0x0] =	vst v2;
	v0 =	vadd.f32 v1, v0  }
0x1b1: {  	[tilespmem:s8+$0x0] =	vst v3  }
0x1b2: {  	[tilespmem:s12+$0x0] =	vst v0  }
0x1b3: {  	s20 =	simm.s32 $0x0;
	s2 =	rddreg [dreg:$0xa]  }
0x1b4: {  	[hbm4b:s2+s20] =	stream.linear.scatter [tilespmem:s20], [sflag:$0x4], $0x8000, $0x38;
	[tilespmem:$0x18180] =	vst v63  }
0x1b5: {  	_ =	swait.ge [sflag:s25], $0x80  }
0x1b6: {  	[sflag:s25] =	ssyncset.done $0x0  }
0x1b7: {  	[sflag:s25] =	ssyncadd.s32 $0xFFFFFF80  }
0x1b8: {  	_ =	swait.ge [sflag:s25], $0x8000  }
0x1b9: {  	[sflag:s25] =	ssyncset.done $0x0  }
0x1ba: {  	[sflag:s25] =	ssyncadd.s32 $0xFFFF8000  }
0x1bb: {  	v6 =	vld [tilespmem:$0x18080]  }
0x1bc: {  	v7 =	vld [tilespmem:$0x18090]  }
0x1bd: {  	v5 =	vld [tilespmem:$0x180A0]  }
0x1be: {  	v4 =	vld [tilespmem:$0x180B0]  }
0x1bf: {  	s22 =	sand.u32 $0x60, s20;
	s23 =	sand.u32 $0x7C00, s20;
	v3 =	vld [tilespmem:$0x180C0]  }
0x1c0: {  	s30 =	sor.u32 s22, s23;
	v2 =	vld [tilespmem:$0x180D0]  }
0x1c1: {  	v0 =	vld [tilespmem:s30+$0x8010]  }
0x1c2: {  	v8 =	vld [tilespmem:s30+$0x8090]  }
0x1c3: {  	v9 =	vld [tilespmem:s30+$0x8110]  }
0x1c4: {  	v10 =	vld [tilespmem:s30+$0x8190]  }
0x1c5: {  	v11 =	vld [tilespmem:s30+$0x8210]  }
0x1c6: {  	v13 =	vld [tilespmem:s30+$0x8290];
	v12 =	vadd.f32 v0, v6  }
0x1c7: {  	v1 =	vld [tilespmem:$0x180E0];
	v8 =	vadd.f32 v8, v7  }
0x1c8: {  	v0 =	vld [tilespmem:$0x180F0];
	v9 =	vadd.f32 v9, v5;
	[tilespmem:s30+$0x8010] =	vst v12  }
0x1c9: {  	s0 =	sand.u32 $0x3, s20;
	v12 =	vld [tilespmem:s30+$0x8000];
	[tilespmem:s30+$0x8090] =	vst v8;
	v8 =	vadd.f32 v10, v4  }
0x1ca: {  	s0 =	sshll.u32 s0, $0x5;
	v10 =	vld [tilespmem:s30+$0x8080];
	[tilespmem:s30+$0x8110] =	vst v9;
	v9 =	vadd.f32 v11, v3  }
0x1cb: {  	s31 =	sadd.s32 $0x0, s0;
	v11 =	vld [tilespmem:s30+$0x8100];
	[tilespmem:s30+$0x8190] =	vst v8;
	v8 =	vadd.f32 v13, v2  }
0x1cc: {  	s0 =	sadd.s32 $0x10, s31;
	v13 =	vld [tilespmem:s30+$0x8180];
	[tilespmem:s30+$0x8210] =	vst v9  }
0x1cd: {  	s16 =	simm.s32 $0x100;
	s11 =	simm.s32 $0x20;
	s10 =	sor.u32 $0x300, s0;
	v9 =	vld [tilespmem:s30+$0x8200];
	[tilespmem:s30+$0x8290] =	vst v8  }
0x1ce: {  	s11 =	sand.u32 $0x60, s11;
	s8 =	sand.u32 $0x7C00, s16;
	v8 =	vadd.f32 v12, v6;
	v12 =	vld [tilespmem:s10+$0x8000]  }
0x1cf: {  	s8 =	sor.u32 s11, s8;
	v14 =	vld [tilespmem:s30+$0x8280];
	v10 =	vadd.f32 v10, v7  }
0x1d0: {  	[tilespmem:s30+$0x8000] =	vst v8;
	v8 =	vadd.f32 v11, v5;
	v11 =	vld [tilespmem:s8+$0x8010]  }
0x1d1: {  	[tilespmem:s30+$0x8080] =	vst v10;
	v10 =	vadd.f32 v13, v4;
	v13 =	vld [tilespmem:s8+$0x8090]  }
0x1d2: {  	[tilespmem:s30+$0x8100] =	vst v8;
	v8 =	vadd.f32 v9, v3;
	v9 =	vld [tilespmem:s8+$0x8110]  }
0x1d3: {  	[tilespmem:s30+$0x8180] =	vst v10;
	v10 =	vld [tilespmem:s8+$0x8190];
	v12 =	vadd.f32 v12, v1  }
0x1d4: {  	v14 =	vadd.f32 v14, v2;
	[tilespmem:s30+$0x8200] =	vst v8;
	v8 =	vld [tilespmem:s8+$0x8210]  }
0x1d5: {  	s0 =	sor.u32 $0x380, s0;
	v15 =	vld [tilespmem:s8+$0x8290];
	v11 =	vadd.f32 v11, v6;
	[tilespmem:s10+$0x8000] =	vst v12  }
0x1d6: {  	[tilespmem:s30+$0x8280] =	vst v14;
	v12 =	vadd.f32 v13, v7;
	v13 =	vld [tilespmem:s0+$0x8000]  }
0x1d7: {  	s17 =	simm.s32 $0x1;
	v14 =	vld [tilespmem:s8+$0x8000];
	[tilespmem:s8+$0x8010] =	vst v11;
	v9 =	vadd.f32 v9, v5  }
0x1d8: {  	s9 =	sand.u32 $0x3, s17;
	v11 =	vld [tilespmem:s8+$0x8080];
	[tilespmem:s8+$0x8090] =	vst v12;
	v10 =	vadd.f32 v10, v4  }
0x1d9: {  	s9 =	sshll.u32 s9, $0x5;
	v12 =	vld [tilespmem:s8+$0x8100];
	[tilespmem:s8+$0x8110] =	vst v9;
	v8 =	vadd.f32 v8, v3  }
0x1da: {  	s18 =	sadd.s32 $0x100, s9;
	v9 =	vld [tilespmem:s8+$0x8180];
	[tilespmem:s8+$0x8190] =	vst v10;
	v10 =	vadd.f32 v15, v2  }
0x1db: {  	s9 =	sadd.s32 $0x10, s18;
	v15 =	vld [tilespmem:s8+$0x8200];
	[tilespmem:s8+$0x8210] =	vst v8;
	v8 =	vadd.f32 v13, v0  }
0x1dc: {  	s13 =	simm.s32 $0x40;
	s19 =	sor.u32 $0x300, s9;
	s20 =	simm.s32 $0x200;
	v13 =	vadd.f32 v14, v6;
	v14 =	vld [tilespmem:s8+$0x8280];
	[tilespmem:s8+$0x8290] =	vst v10  }
0x1dd: {  	s22 =	sand.u32 $0x60, s13;
	s16 =	sor.u32 $0x300, s31;
	s12 =	sand.u32 $0x7C00, s20;
	v10 =	vadd.f32 v11, v7;
	[tilespmem:s0+$0x8000] =	vst v8;
	v8 =	vld [tilespmem:s19+$0x8000]  }
0x1de: {  	v11 =	vld [tilespmem:s16+$0x8000];
	v12 =	vadd.f32 v12, v5;
	[tilespmem:s8+$0x8000] =	vst v13;
	s0 =	sor.u32 s22, s12  }
0x1df: {  	[tilespmem:s8+$0x8080] =	vst v10;
	v9 =	vadd.f32 v9, v4;
	v10 =	vld [tilespmem:s0+$0x8010]  }
0x1e0: {  	[tilespmem:s8+$0x8100] =	vst v12;
	v12 =	vadd.f32 v15, v3;
	v13 =	vld [tilespmem:s0+$0x8090]  }
0x1e1: {  	[tilespmem:s8+$0x8180] =	vst v9;
	v9 =	vadd.f32 v14, v2;
	v14 =	vld [tilespmem:s0+$0x8110]  }
0x1e2: {  	[tilespmem:s8+$0x8200] =	vst v12;
	v12 =	vld [tilespmem:s0+$0x8190];
	v8 =	vadd.f32 v8, v1  }
0x1e3: {  	v11 =	vadd.f32 v11, v1;
	[tilespmem:s8+$0x8280] =	vst v9;
	v9 =	vld [tilespmem:s0+$0x8210]  }
0x1e4: {  	s20 =	sor.u32 $0x380, s9;
	v15 =	vld [tilespmem:s0+$0x8290];
	v10 =	vadd.f32 v10, v6;
	[tilespmem:s19+$0x8000] =	vst v8  }
0x1e5: {  	[tilespmem:s16+$0x8000] =	vst v11;
	v8 =	vadd.f32 v13, v7;
	v11 =	vld [tilespmem:s20+$0x8000]  }
0x1e6: {  	v13 =	vld [tilespmem:s0+$0x8000];
	[tilespmem:s0+$0x8010] =	vst v10;
	v10 =	vadd.f32 v14, v5  }
0x1e7: {  	s10 =	simm.s32 $0x2;
	v14 =	vld [tilespmem:s0+$0x8080];
	v12 =	vadd.f32 v12, v4;
	[tilespmem:s0+$0x8090] =	vst v8  }
0x1e8: {  	s23 =	sand.u32 $0x3, s10;
	v8 =	vld [tilespmem:s0+$0x8100];
	[tilespmem:s0+$0x8110] =	vst v10;
	v16 =	vadd.f32 v9, v3  }
0x1e9: {  	s13 =	simm.s32 $0x300;
	s11 =	simm.s32 $0x4;
	s30 =	sshll.u32 s23, $0x5;
	v9 =	vld [tilespmem:s0+$0x8180];
	[tilespmem:s0+$0x8190] =	vst v12;
	v12 =	vadd.f32 v15, v2  }
0x1ea: {  	s2 =	sor.u32 $0x380, s31;
	s9 =	sor.u32 $0x300, s18;
	s31 =	sadd.s32 $0x200, s30;
	v10 =	vld [tilespmem:s0+$0x8200];
	[tilespmem:s0+$0x8210] =	vst v16;
	v15 =	vadd.f32 v11, v0  }
0x1eb: {  	s17 =	sor.u32 $0x300, s31;
	s8 =	sor.u32 $0x380, s18;
	s18 =	sadd.s32 $0x10, s31;
	[tilespmem:s0+$0x8290] =	vst v12;
	v13 =	vadd.f32 v13, v6;
	v11 =	vld [tilespmem:s0+$0x8280]  }
0x1ec: {  	s12 =	sor.u32 $0x380, s31;
	s16 =	simm.s32 $0x60;
	s19 =	sor.u32 $0x300, s18;
	v12 =	vld [tilespmem:s9+$0x8000];
	v14 =	vadd.f32 v14, v7;
	[tilespmem:s20+$0x8000] =	vst v15  }
.LBB2_12:
0x1ed: {  	s20 =	sand.u32 $0x60, s16;
	s22 =	sand.u32 $0x7C00, s13;
	[tilespmem:s0+$0x8000] =	vst v13;
	v8 =	vadd.f32 v8, v5;
	v13 =	vld [tilespmem:s19+$0x8000]  }
0x1ee: {  	s20 =	sor.u32 s20, s22;
	[tilespmem:s0+$0x8080] =	vst v14;
	v9 =	vadd.f32 v9, v4;
	v14 =	vld [tilespmem:s2+$0x8000]  }
0x1ef: {  	v15 =	vld [tilespmem:s20+$0x8010];
	[tilespmem:s0+$0x8100] =	vst v8;
	v8 =	vadd.f32 v10, v3  }
0x1f0: {  	v10 =	vld [tilespmem:s20+$0x8090];
	[tilespmem:s0+$0x8180] =	vst v9;
	v9 =	vadd.f32 v11, v2  }
0x1f1: {  	v11 =	vld [tilespmem:s20+$0x8110];
	[tilespmem:s0+$0x8200] =	vst v8;
	v8 =	vadd.f32 v12, v1  }
0x1f2: {  	v12 =	vld [tilespmem:s20+$0x8190];
	[tilespmem:s0+$0x8280] =	vst v9;
	v9 =	vadd.f32 v13, v1;
	s0 =	smov.u32 s20  }
0x1f3: {  	s11 =	sadd.s32 $0x2, s11;
	v13 =	vld [tilespmem:s0+$0x8210];
	[tilespmem:s9+$0x8000] =	vst v8;
	v8 =	vadd.f32 v14, v0;
	s9 =	smov.u32 s17  }
0x1f4: {  	p0 =	slt.u32 s11, $0xFE;
	s20 =	sor.u32 $0x380, s18;
	v14 =	vadd.f32 v15, v6;
	v15 =	vld [tilespmem:s0+$0x8290];
	[tilespmem:s19+$0x8000] =	vst v9  }
0x1f5: {  	v9 =	vadd.f32 v10, v7;
	v16 =	vld [tilespmem:s20+$0x8000];
	[tilespmem:s2+$0x8000] =	vst v8;
	s2 =	smov.u32 s8;
	s8 =	smov.u32 s12  }
0x1f6: {  	v17 =	vld [tilespmem:s0+$0x8000];
	[tilespmem:s0+$0x8010] =	vst v14;
	v10 =	vadd.f32 v11, v5  }
0x1f7: {  	s10 =	sadd.s32 $0x1, s10;
	v14 =	vld [tilespmem:s0+$0x8080];
	[tilespmem:s0+$0x8090] =	vst v9;
	v11 =	vadd.f32 v12, v4  }
.Ltmp5:
0x1f8: {  	s12 =	sand.u32 $0x3, s10;
	v8 =	vld [tilespmem:s0+$0x8100];
	[tilespmem:s0+$0x8110] =	vst v10;
	v12 =	vadd.f32 v13, v3;
	(pc) =	sbr.rel @p0 .LBB2_12-.Ltmp5, $4  }
0x1f9: {  	s12 =	sshll.u32 s12, $0x5;
	v9 =	vld [tilespmem:s0+$0x8180];
	[tilespmem:s0+$0x8190] =	vst v11;
	v15 =	vadd.f32 v15, v2  }
0x1fa: {  	s18 =	sadd.s32 s12, s13;
	v10 =	vld [tilespmem:s0+$0x8200];
	[tilespmem:s0+$0x8210] =	vst v12;
	v16 =	vadd.f32 v16, v0  }
0x1fb: {  	s17 =	sor.u32 $0x300, s18;
	s12 =	sor.u32 $0x380, s18;
	s18 =	sadd.s32 $0x10, s18;
	v13 =	vadd.f32 v17, v6;
	v11 =	vld [tilespmem:s0+$0x8280];
	[tilespmem:s0+$0x8290] =	vst v15  }
0x1fc: {  	s16 =	sadd.s32 $0x20, s16;
	s13 =	sadd.s32 $0x100, s13;
	s19 =	sor.u32 $0x300, s18;
	v14 =	vadd.f32 v14, v7;
	v12 =	vld [tilespmem:s9+$0x8000];
	[tilespmem:s20+$0x8000] =	vst v16  }
0x1fd: {  	[tilespmem:s0+$0x8000] =	vst v13;
	v5 =	vadd.f32 v8, v5  }
0x1fe: {  	[tilespmem:s0+$0x8080] =	vst v14;
	v4 =	vadd.f32 v9, v4  }
0x1ff: {  	[tilespmem:s0+$0x8100] =	vst v5;
	v3 =	vadd.f32 v10, v3  }
0x200: {  	[tilespmem:s0+$0x8180] =	vst v4;
	v2 =	vadd.f32 v11, v2  }
0x201: {  	[tilespmem:s0+$0x8200] =	vst v3  }
0x202: {  	v55 =	vld [tilespmem:s19+$0x8000];
	[tilespmem:s0+$0x8280] =	vst v2  }
0x203: {  	v2 =	vld [tilespmem:s17+$0x8000];
	_ =	sdelay $0x2  }
0x204: {  	v57 =	vadd.f32 v12, v1  }
0x205: {  	v56 =	vadd.f32 v55, v1  }
0x206: {  	v58 =	vld [tilespmem:s2+$0x8000];
	[tilespmem:s9+$0x8000] =	vst v57;
	v59 =	vadd.f32 v2, v1  }
0x207: {  	s22 =	sor.u32 $0x380, s18;
	[tilespmem:s19+$0x8000] =	vst v56;
	v61 =	vld [tilespmem:s8+$0x8000]  }
0x208: {  	v60 =	vld [tilespmem:s22+$0x8000];
	[tilespmem:s17+$0x8000] =	vst v59  }
0x209: {  	v1 =	vld [tilespmem:s12+$0x8000];
	_ =	sdelay $0x1  }
0x20a: {  	v62 =	vadd.f32 v58, v0  }
0x20b: {  	v3 =	vadd.f32 v61, v0  }
0x20c: {  	[tilespmem:s2+$0x8000] =	vst v62;
	v2 =	vadd.f32 v60, v0  }
0x20d: {  	[tilespmem:s8+$0x8000] =	vst v3;
	v63 =	vadd.f32 v1, v0  }
0x20e: {  	[tilespmem:s22+$0x8000] =	vst v2  }
0x20f: {  	[tilespmem:s12+$0x8000] =	vst v63  }
0x210: {  	s23 =	simm.s32 $0x6;
	s0 =	rddreg [dreg:$0xb]  }
0x211: {  	[hbm4b:s0+s4] =	stream.linear.scatter [tilespmem:s21], [sflag:$0x5], $0x8000, $0x38;
	[tilespmem:$0x18180] =	vst v63  }
0x212: {  	_ =	swait.ge [sflag:s23], $0x8000  }
0x213: {  	[sflag:s23] =	ssyncset.done $0x0  }
0x214: {  	[sflag:s23] =	ssyncadd.s32 $0xFFFF8000  }
0x215: {  	_ =	swait.ge [sflag:s26], $0x8000  }
0x216: {  	[sflag:s26] =	ssyncset.done $0x0  }
0x217: {  	[sflag:s26] =	ssyncadd.s32 $0xFFFF8000  }
0x218: {  	_ =	swait.ge [sflag:s29], $0x8000  }
0x219: {  	s30 =	rddreg [dreg:$0xd]  }
0x21a: {  	s31 =	rddreg [dreg:$0xc];
	s2 =	sadd.s32 $0x1, s30  }
0x21b: {  	p0 =	sne.s32 s2, s31  }
.Ltmp6:
0x21c: {  	_ = 	snop;
	(pc) =	sbr.rel @p0 .LBB2_1-.Ltmp6, $3  }
0x21d: {  	_ =	sdelay $0x1  }
0x21e: {  	[sflag:s29] =	ssyncset.done $0x0  }
0x21f: {  	[sflag:s29] =	ssyncadd.s32 $0xFFFF8000  }
0x220: {  	_ =	sfence.sel $0x180000  }
0x221: {  	[bflag:$0x0] =	sbarrier.arrive $0xFFFF  }
0x222: {  	_ =	strace $0x90000047  }
0x223: {  	s0 =	stileid.u32;
	[bflag:$0x2] =	sbarrier.arrive $0xFFFF  }
0x224: {  	p0 =	sne.s32 s0, $0x0;
	s0 =	rddreg [dreg:$0x3]  }
0x225: {  	s0 =	sadd.s32 @!p0 $0x100000, s0  }
0x226: {  	[sflag:s0] =	ssyncadd.tile.s32 @!p0 $0x1;
	_ =	shalt  }
.Lfunc_end2:
_tile_overlayer_lowered:
.L_overlay_start_2:
0x227: {  	(tag) =	ssettag $0x2  }
0x228: {  	s0 =	rddreg [dreg:$0x0];
	s2 =	stileid.u32  }
0x229: {  	s1 =	rddreg [dreg:$0x1];
	p0 =	sne.s32 s2, $0x0  }
0x22a: {  	s3 =	rddreg [dreg:$0x2];
	[bflag:$0x3] =	sbarrier.arrive $0xFFFF;
	s2 =	simm.s32 @!p0 $0x1C07  }
0x22b: {  	[timem:s3], [sflag:s2] =	dma.local @!p0 [hbm:s0], s1  }
0x22c: {  	s0 =	simm.s32 @!p0 $0x7  }
0x22d: {  	_ =	swait.ge @!p0 [sflag:s0], s1  }
0x22e: {  	s1 =	ssub.s32 @!p0 $0x0, s1;
	[sflag:s0] =	ssyncset.done @!p0 $0x0  }
0x22f: {  	[sflag:s0] =	ssyncadd.s32 @!p0 s1  }
0x230: {  	[bflag:$0x3] =	sbarrier.arrive $0xFFFF  }
0x231: {  	_ =	shalt  }

</sc_bundles>
